<compile_context>
chip_gen: v7x
topology: tpu7x:2x2x1
jax: 0.10.2.dev20260603
libtpu: 0.0.44.dev20260713+nightly
codegen_flags: <defaults>
</compile_context>

<pallas_src>
import functools

import jax
import jax.numpy as jnp
from jax import lax
from jax.experimental import pallas as pl
from jax.experimental.pallas import tpu as pltpu
from jax.experimental.pallas import tpu_sc as plsc

NC = 2
NS = 16
L = 16
K = 1024
NB = 8
NPIX = 512 * 512
TILES_PER_IMG = (NC * NS) // NB
WORDS_PER_IMG = NPIX // 2
WCHUNK = WORDS_PER_IMG // TILES_PER_IMG
WPIECE = 16384
NPIECE = WCHUNK // WPIECE
VEC_PER_PIECE = WPIECE // L
HB = 2 * K
UNROLL = 8

IMG_H = 512
IMG_W = 512


def _pack_body(p_ref, t_ref, o_ref):
    p = p_ref[...]
    t = t_ref[...]
    e = jnp.abs(t.astype(jnp.float32) - p)
    q = jnp.minimum((e * float(K)).astype(jnp.int32), K - 1)
    a = t * K + ((K - 1) - q)
    h = IMG_H // 2
    o_ref[...] = a[:, :h] | (a[:, h:] << 16)


IMGS_PER_STEP = 4


def _pack_addresses(pro, tgt):
    return pl.pallas_call(
        _pack_body,
        grid=(NB // IMGS_PER_STEP,),
        in_specs=[
            pl.BlockSpec((IMGS_PER_STEP, IMG_H, IMG_W), lambda i: (i, 0, 0)),
            pl.BlockSpec((IMGS_PER_STEP, IMG_H, IMG_W), lambda i: (i, 0, 0)),
        ],
        out_specs=pl.BlockSpec((IMGS_PER_STEP, IMG_H // 2, IMG_W),
                               lambda i: (i, 0, 0)),
        out_shape=jax.ShapeDtypeStruct((NB, IMG_H // 2, IMG_W), jnp.int32),
    )(pro, tgt)


def _sc_body(addr_hbm, out_hbm,
             hist16, hist16b, buf, myhist, comb, outbuf, shared,
             sem0, sem1):
    c = lax.axis_index("c")
    s = lax.axis_index("s")
    img = c * (NB // NC) + s // TILES_PER_IMG
    sub = s % TILES_PER_IMG
    base = pl.multiple_of(img * WORDS_PER_IMG + sub * WCHUNK, WPIECE)

    lane = lax.iota(jnp.int32, L)
    lane_hb = lane * HB
    ones = jnp.full((L,), 1.0, jnp.float32)
    zvec = jnp.zeros((L,), jnp.float32)

    @plsc.parallel_loop(0, (L * HB) // L, 1, unroll=8)
    def _zero(i):
        hist16[pl.ds(i * L, L)] = zvec
        hist16b[pl.ds(i * L, L)] = zvec

    sems = (sem0, sem1)

    def start(piece, b):
        off = pl.multiple_of(base + piece * WPIECE, WPIECE)
        return pltpu.async_copy(addr_hbm.at[pl.ds(off, WPIECE)],
                                buf.at[b], sems[b])

    handle = start(0, 0)
    for piece in range(NPIECE):
        cur = piece & 1
        handle.wait()
        if piece + 1 < NPIECE:
            handle = start(piece + 1, 1 - cur)

        @plsc.parallel_loop(0, VEC_PER_PIECE, 1, unroll=UNROLL)
        def _scat(v):
            w = buf[cur, pl.ds(v * L, L)]
            lo = w & 0xFFFF
            hi = jnp.right_shift(w, 16)
            plsc.addupdate_scatter(hist16, [lane_hb + lo], ones)
            plsc.addupdate_scatter(hist16b, [lane_hb + hi], ones)

    @plsc.parallel_loop(0, HB // L, 1, unroll=2)
    def _lred(v):
        acc = hist16[pl.ds(v * L, L)] + hist16b[pl.ds(v * L, L)]
        for ln in range(1, L):
            acc = acc + hist16[pl.ds(ln * HB + v * L, L)]
            acc = acc + hist16b[pl.ds(ln * HB + v * L, L)]
        myhist[pl.ds(v * L, L)] = acc

    pltpu.sync_copy(myhist, shared.at[s])
    plsc.subcore_barrier()

    @pl.when(sub == 0)
    def _owner():
        for r in range(TILES_PER_IMG):
            pltpu.sync_copy(shared.at[s + r], comb.at[r])

        def g_body(v, accv):
            gv = comb[0, pl.ds(K + v * L, L)]
            for r in range(1, TILES_PER_IMG):
                gv = gv + comb[r, pl.ds(K + v * L, L)]
            return accv + gv
        g_vec = lax.fori_loop(0, K // L, g_body, zvec)
        G = jnp.sum(g_vec)

        def scan_body(v, carry):
            cn, cb, accv = carry
            bgv = comb[0, pl.ds(v * L, L)]
            fgv = comb[0, pl.ds(K + v * L, L)]
            for r in range(1, TILES_PER_IMG):
                bgv = bgv + comb[r, pl.ds(v * L, L)]
                fgv = fgv + comb[r, pl.ds(K + v * L, L)]
            hn = bgv + fgv
            cumn = plsc.cumsum(hn) + cn
            cumb = plsc.cumsum(bgv) + cb
            accv = accv + cumn / (G + cumb)
            return (cn + jnp.sum(hn), cb + jnp.sum(bgv), accv)

        cn, cb, accv = lax.fori_loop(
            0, K // L, scan_body,
            (jnp.float32(0.0), jnp.float32(0.0), zvec))
        h = 1.0 / float(K)
        loss = h * jnp.sum(accv) - 0.5 * h
        outbuf[...] = jnp.where(lane == 0, loss, 0.0)
        pltpu.sync_copy(outbuf, out_hbm.at[img])


def _sc_losses(addr_flat):
    mesh = plsc.VectorSubcoreMesh(core_axis_name="c", subcore_axis_name="s",
                                  num_cores=NC, num_subcores=NS)
    return pl.kernel(
        _sc_body,
        out_type=jax.ShapeDtypeStruct((NB, L), jnp.float32),
        mesh=mesh,
        compiler_params=pltpu.CompilerParams(needs_layout_passes=False),
        scratch_types=[
            pltpu.VMEM((L * HB,), jnp.float32),
            pltpu.VMEM((L * HB,), jnp.float32),
            pltpu.VMEM((2, WPIECE), jnp.int32),
            pltpu.VMEM((HB,), jnp.float32),
            pltpu.VMEM((TILES_PER_IMG, HB), jnp.float32),
            pltpu.VMEM((L,), jnp.float32),
            pltpu.VMEM_SHARED((NS, HB), jnp.float32),
            pltpu.SemaphoreType.DMA,
            pltpu.SemaphoreType.DMA,
        ],
    )(addr_flat)


def _mean_body(x_ref, o_ref):
    o_ref[...] = jnp.sum(x_ref[...], keepdims=True).reshape(1, 1) * (1.0 / NB)


def kernel(outputs, targets):
    packed = _pack_addresses(outputs, targets.astype(jnp.int32)).reshape(-1)
    losses = _sc_losses(packed)
    out = pl.pallas_call(
        _mean_body,
        out_shape=jax.ShapeDtypeStruct((1, 1), jnp.float32),
    )(losses)
    return out[0, 0]

# --- scband reference (transcript-rebuilt; emitter-appended) ---
"""Pipeline reference for scband-lovasz-loss-sigmoid-6975026889131 (READ-ONLY COPY).

The authoritative reference and input builder live on the scoring server;
editing this copy changes nothing except your own understanding.
"""

import jax, jax.numpy as jnp
import numpy as np


def lovasz_grad(gt_sorted):
    # Gradient of the Lovasz extension w.r.t sorted errors
    gts = jnp.sum(gt_sorted)
    intersection = gts - jnp.cumsum(gt_sorted)
    union = gts + jnp.cumsum(1.0 - gt_sorted)
    jaccard = 1.0 - intersection / union
    jaccard = jnp.concatenate([jaccard[:1], jaccard[1:] - jaccard[:-1]])
    return jaccard


def lovasz_sigmoid_flat(probas, labels):
    fg = labels.astype(jnp.float32)
    errors = jnp.abs(fg - probas)
    # torch.sort(errors, 0, descending=True); perm is detached (perm.data)
    perm = jnp.argsort(-errors)
    errors_sorted = errors[perm]
    fg_sorted = fg[perm]
    grad = jax.lax.stop_gradient(lovasz_grad(fg_sorted))
    return jnp.dot(errors_sorted, grad)


def setup_inputs(seed: int = 0) -> dict:
    key = jax.random.key(seed)
    k1, k2 = jax.random.split(key)
    outputs = jax.random.uniform(k1, (8, 512, 512), dtype=jnp.float32)
    targets = jax.random.randint(k2, (8, 512, 512), 0, 2).astype(jnp.int64)
    return {"outputs": outputs, "targets": targets}


def reference(outputs, targets):
    # LovaszLossSigmoid(ignore_index=255, per_image=True).forward(outputs, targets)
    # targets take values in {0,1}, so the ignore_index=255 filter
    # (flatten_binary_scores valid-mask) is the identity here.
    B = outputs.shape[0]
    probas_flat = outputs.reshape(B, -1)
    labels_flat = targets.reshape(B, -1)
    losses = jax.vmap(lovasz_sigmoid_flat)(probas_flat, labels_flat)
    return jnp.mean(losses)

if __name__ == "__main__":
    import jax
    _d = setup_inputs()
    print(jax.jit(kernel)(*tuple(_d.values())))

</pallas_src>

<mosaic_0001>
#map = affine_map<(d0, d1) -> (0)>
#map1 = affine_map<(d0, d1) -> (0, 0)>
module attributes {stable_mosaic.version = 14 : i64} {
  func.func @_sc_body(%arg0: i32, %arg1: i32, %arg2: memref<1048576xi32, #tpu.memory_space<hbm>>, %arg3: memref<8x16xf32, #tpu.memory_space<hbm>>, %arg4: memref<32768xf32, #tpu.memory_space<vmem>>, %arg5: memref<32768xf32, #tpu.memory_space<vmem>>, %arg6: memref<2x16384xi32, #tpu.memory_space<vmem>>, %arg7: memref<2048xf32, #tpu.memory_space<vmem>>, %arg8: memref<4x2048xf32, #tpu.memory_space<vmem>>, %arg9: memref<16xf32, #tpu.memory_space<vmem>>, %arg10: memref<16x2048xf32, #tpu.memory_space<vmem_shared>>, %arg11: memref<!tpu.dma_semaphore, #tpu.memory_space<semaphore_mem>>, %arg12: memref<!tpu.dma_semaphore, #tpu.memory_space<semaphore_mem>>) attributes {dimension_semantics = [#tpu.dimension_semantics<core_parallel>, #tpu.dimension_semantics<subcore_parallel>], iteration_bounds = array<i64: 2, 16>, scalar_prefetch = 0 : i64, scratch_operands = 9 : i64, tpu.core_type = #tpu.core_type<sc_vector_subcore>, window_params = [{transform_indices = #map}, {transform_indices = #map1}]} {
    %mul3A = arith.constant 4 : i32
    %mul3A_0 = arith.muli %arg0, %mul3A : i32
    %jit3A = arith.constant 4 : i32
    %div3A = arith.divsi %arg1, %jit3A : i32
    %sign3A = arith.constant 0 : i32
    %sign3A_1 = arith.cmpi sgt, %arg1, %sign3A : i32
    %sign3A_2 = arith.extui %sign3A_1 : i1 to i32
    %sign3A_3 = arith.constant 0 : i32
    %sign3A_4 = arith.cmpi slt, %arg1, %sign3A_3 : i32
    %sign3A_5 = arith.extui %sign3A_4 : i1 to i32
    %sign3A_6 = arith.subi %sign3A_2, %sign3A_5 : i32
    %sign3A_7 = arith.constant 0 : i32
    %sign3A_8 = arith.cmpi sgt, %jit3A, %sign3A_7 : i32
    %sign3A_9 = arith.extui %sign3A_8 : i1 to i32
    %sign3A_10 = arith.constant 0 : i32
    %sign3A_11 = arith.cmpi slt, %jit3A, %sign3A_10 : i32
    %sign3A_12 = arith.extui %sign3A_11 : i1 to i32
    %sign3A_13 = arith.subi %sign3A_9, %sign3A_12 : i32
    %ne3A = arith.cmpi ne, %sign3A_6, %sign3A_13 : i32
    %rem3A = arith.remsi %arg1, %jit3A : i32
    %ne3A_14 = arith.constant 0 : i32
    %ne3A_15 = arith.cmpi ne, %rem3A, %ne3A_14 : i32
    %and3A = arith.andi %ne3A, %ne3A_15 : i1
    %sub3A = arith.constant 1 : i32
    %sub3A_16 = arith.subi %div3A, %sub3A : i32
    %select_n3A = arith.select %and3A, %sub3A_16, %div3A : i32
    %add3A = arith.addi %mul3A_0, %select_n3A : i32
    %jit3A_17 = arith.constant 4 : i32
    %eq3A = arith.constant 0 : i32
    %eq3A_18 = arith.cmpi eq, %jit3A_17, %eq3A : i32
    %jit3A_19 = arith.constant 1 : i32
    %select_n3A_20 = arith.select %eq3A_18, %jit3A_19, %jit3A_17 : i32
    %rem3A_21 = arith.remsi %arg1, %select_n3A_20 : i32
    %ne3A_22 = arith.constant 0 : i32
    %ne3A_23 = arith.cmpi ne, %rem3A_21, %ne3A_22 : i32
    %lt3A = arith.constant 0 : i32
    %lt3A_24 = arith.cmpi slt, %rem3A_21, %lt3A : i32
    %lt3A_25 = arith.constant 0 : i32
    %lt3A_26 = arith.cmpi slt, %select_n3A_20, %lt3A_25 : i32
    %ne3A_27 = arith.xori %lt3A_24, %lt3A_26 : i1
    %and3A_28 = arith.andi %ne3A_27, %ne3A_23 : i1
    %add3A_29 = arith.addi %rem3A_21, %select_n3A_20 : i32
    %select_n3A_30 = arith.select %and3A_28, %add3A_29, %rem3A_21 : i32
    %mul3A_31 = arith.constant 131072 : i32
    %mul3A_32 = arith.muli %add3A, %mul3A_31 : i32
    %mul3A_33 = arith.constant 32768 : i32
    %mul3A_34 = arith.muli %select_n3A_30, %mul3A_33 : i32
    %add3A_35 = arith.addi %mul3A_32, %mul3A_34 : i32
    %multiple_of3A = tpu.assume_multiple %add3A_35, 16384 : i32
    %iota3A = tpu.iota {dimensions = array<i32: 0>} : vector<16xi32>
    %mul3A_36 = arith.constant 2048 : i32
    %mul3A_37 = vector.broadcast %mul3A_36 : i32 to vector<16xi32>
    %mul3A_38 = arith.muli %iota3A, %mul3A_37 : vector<16xi32>
    %broadcast_in_dim3A = arith.constant 1.000000e+00 : f32
    %broadcast_in_dim3A_39 = vector.broadcast %broadcast_in_dim3A : f32 to vector<16xf32>
    %broadcast_in_dim3A_40 = arith.constant 0.000000e+00 : f32
    %broadcast_in_dim3A_41 = vector.broadcast %broadcast_in_dim3A_40 : f32 to vector<16xf32>
    %parallel_loop3A = arith.constant 0 : i32
    %parallel_loop3A_42 = arith.constant 2048 : i32
    %parallel_loop3A_43 = arith.constant 1 : i32
    scf.for %parallel_loop3A_96 = %parallel_loop3A to %parallel_loop3A_42 step %parallel_loop3A_43  : i32 {
      %parallel_loop3A_97 = arith.constant 16 : i32
      %parallel_loop3A_98 = arith.muli %parallel_loop3A_96, %parallel_loop3A_97 : i32
      %parallel_loop3A_99 = arith.index_cast %parallel_loop3A_98 : i32 to index
      %parallel_loop3A_100 = tpu.vector_load %arg4[%parallel_loop3A_99] {strides = array<i32>} : memref<32768xf32, #tpu.memory_space<vmem>>, vector<16xf32>,
      tpu.vector_store %arg4[%parallel_loop3A_99], %broadcast_in_dim3A_41 {strides = array<i32>} : memref<32768xf32, #tpu.memory_space<vmem>>, vector<16xf32>,
      %parallel_loop3A_101 = arith.constant 16 : i32
      %parallel_loop3A_102 = arith.muli %parallel_loop3A_96, %parallel_loop3A_101 : i32
      %parallel_loop3A_103 = arith.index_cast %parallel_loop3A_102 : i32 to index
      %parallel_loop3A_104 = tpu.vector_load %arg5[%parallel_loop3A_103] {strides = array<i32>} : memref<32768xf32, #tpu.memory_space<vmem>>, vector<16xf32>,
      tpu.vector_store %arg5[%parallel_loop3A_103], %broadcast_in_dim3A_41 {strides = array<i32>} : memref<32768xf32, #tpu.memory_space<vmem>>, vector<16xf32>,
    } {sc.loop_unroll_factor = 8 : i64, sc.parallel_access}
    %add3A_44 = arith.constant 0 : i32
    %add3A_45 = arith.addi %multiple_of3A, %add3A_44 : i32
    %multiple_of3A_46 = tpu.assume_multiple %add3A_45, 16384 : i32
    %dma_start3A = arith.constant 0 : i32
    %dma_start3A_47 = arith.constant 0 : i32
    %dma_start3A_48 = tpu.memref_slice %arg6[%dma_start3A, %dma_start3A_47] : memref<2x16384xi32, #tpu.memory_space<vmem>> -> memref<1x16384xi32, #tpu.memory_space<vmem>>
    %dma_start3A_49 = tpu.memref_squeeze %dma_start3A_48 : memref<1x16384xi32, #tpu.memory_space<vmem>> -> memref<16384xi32, #tpu.memory_space<vmem>>
    %dma_start3A_50 = tpu.memref_slice %arg2[%multiple_of3A_46] : memref<1048576xi32, #tpu.memory_space<hbm>> -> memref<16384xi32, #tpu.memory_space<hbm>>
    %dma_start3A_51 = arith.constant 0 : i32
    %dma_start3A_52 = tpu.memref_slice %arg6[%dma_start3A, %dma_start3A_51] : memref<2x16384xi32, #tpu.memory_space<vmem>> -> memref<1x16384xi32, #tpu.memory_space<vmem>>
    %dma_start3A_53 = tpu.memref_squeeze %dma_start3A_52 : memref<1x16384xi32, #tpu.memory_space<vmem>> -> memref<16384xi32, #tpu.memory_space<vmem>>
    %dma_start3A_54 = tpu.memref_slice %arg2[%multiple_of3A_46] : memref<1048576xi32, #tpu.memory_space<hbm>> -> memref<16384xi32, #tpu.memory_space<hbm>>
    tpu.enqueue_dma source(%dma_start3A_54 : memref<16384xi32, #tpu.memory_space<hbm>>) target(%dma_start3A_53 : memref<16384xi32, #tpu.memory_space<vmem>>) target_semaphore(%arg11 : memref<!tpu.dma_semaphore, #tpu.memory_space<semaphore_mem>>)
    %dma_wait3A = arith.constant 0 : i32
    %dma_wait3A_55 = arith.constant 0 : i32
    %dma_wait3A_56 = tpu.memref_slice %arg6[%dma_wait3A, %dma_wait3A_55] : memref<2x16384xi32, #tpu.memory_space<vmem>> -> memref<1x16384xi32, #tpu.memory_space<vmem>>
    %dma_wait3A_57 = tpu.memref_squeeze %dma_wait3A_56 : memref<1x16384xi32, #tpu.memory_space<vmem>> -> memref<16384xi32, #tpu.memory_space<vmem>>
    %dma_wait3A_58 = tpu.memref_slice %arg2[%multiple_of3A_46] : memref<1048576xi32, #tpu.memory_space<hbm>> -> memref<16384xi32, #tpu.memory_space<hbm>>
    %dma_wait3A_59 = arith.constant 0 : i32
    %dma_wait3A_60 = tpu.memref_slice %arg6[%dma_wait3A, %dma_wait3A_59] : memref<2x16384xi32, #tpu.memory_space<vmem>> -> memref<1x16384xi32, #tpu.memory_space<vmem>>
    %dma_wait3A_61 = tpu.memref_squeeze %dma_wait3A_60 : memref<1x16384xi32, #tpu.memory_space<vmem>> -> memref<16384xi32, #tpu.memory_space<vmem>>
    %dma_wait3A_62 = tpu.memref_slice %arg2[%multiple_of3A_46] : memref<1048576xi32, #tpu.memory_space<hbm>> -> memref<16384xi32, #tpu.memory_space<hbm>>
    tpu.wait_dma2 semaphore(%arg11 : memref<!tpu.dma_semaphore, #tpu.memory_space<semaphore_mem>>) src(%dma_wait3A_62 : memref<16384xi32, #tpu.memory_space<hbm>>) dst(%dma_wait3A_61 : memref<16384xi32, #tpu.memory_space<vmem>>)
    %add3A_63 = arith.constant 16384 : i32
    %add3A_64 = arith.addi %multiple_of3A, %add3A_63 : i32
    %multiple_of3A_65 = tpu.assume_multiple %add3A_64, 16384 : i32
    %dma_start3A_66 = arith.constant 1 : i32
    %dma_start3A_67 = arith.constant 0 : i32
    %dma_start3A_68 = tpu.memref_slice %arg6[%dma_start3A_66, %dma_start3A_67] : memref<2x16384xi32, #tpu.memory_space<vmem>> -> memref<1x16384xi32, #tpu.memory_space<vmem>>
    %dma_start3A_69 = tpu.memref_squeeze %dma_start3A_68 : memref<1x16384xi32, #tpu.memory_space<vmem>> -> memref<16384xi32, #tpu.memory_space<vmem>>
    %dma_start3A_70 = tpu.memref_slice %arg2[%multiple_of3A_65] : memref<1048576xi32, #tpu.memory_space<hbm>> -> memref<16384xi32, #tpu.memory_space<hbm>>
    %dma_start3A_71 = arith.constant 0 : i32
    %dma_start3A_72 = tpu.memref_slice %arg6[%dma_start3A_66, %dma_start3A_71] : memref<2x16384xi32, #tpu.memory_space<vmem>> -> memref<1x16384xi32, #tpu.memory_space<vmem>>
    %dma_start3A_73 = tpu.memref_squeeze %dma_start3A_72 : memref<1x16384xi32, #tpu.memory_space<vmem>> -> memref<16384xi32, #tpu.memory_space<vmem>>
    %dma_start3A_74 = tpu.memref_slice %arg2[%multiple_of3A_65] : memref<1048576xi32, #tpu.memory_space<hbm>> -> memref<16384xi32, #tpu.memory_space<hbm>>
    tpu.enqueue_dma source(%dma_start3A_74 : memref<16384xi32, #tpu.memory_space<hbm>>) target(%dma_start3A_73 : memref<16384xi32, #tpu.memory_space<vmem>>) target_semaphore(%arg12 : memref<!tpu.dma_semaphore, #tpu.memory_space<semaphore_mem>>)
    %parallel_loop3A_75 = arith.constant 0 : i32
    %parallel_loop3A_76 = arith.constant 1024 : i32
    %parallel_loop3A_77 = arith.constant 1 : i32
    scf.for %parallel_loop3A_96 = %parallel_loop3A_75 to %parallel_loop3A_76 step %parallel_loop3A_77  : i32 {
      %parallel_loop3A_97 = arith.constant 16 : i32
      %parallel_loop3A_98 = arith.muli %parallel_loop3A_96, %parallel_loop3A_97 : i32
      %parallel_loop3A_99 = arith.constant 0 : i32
      %parallel_loop3A_100 = arith.index_cast %parallel_loop3A_99 : i32 to index
      %parallel_loop3A_101 = arith.index_cast %parallel_loop3A_98 : i32 to index
      %parallel_loop3A_102 = tpu.vector_load %arg6[%parallel_loop3A_100, %parallel_loop3A_101] {strides = array<i32>} : memref<2x16384xi32, #tpu.memory_space<vmem>>, vector<16xi32>,
      %parallel_loop3A_103 = arith.constant 65535 : i32
      %parallel_loop3A_104 = vector.broadcast %parallel_loop3A_103 : i32 to vector<16xi32>
      %parallel_loop3A_105 = arith.andi %parallel_loop3A_102, %parallel_loop3A_104 : vector<16xi32>
      %parallel_loop3A_106 = arith.constant 16 : i32
      %parallel_loop3A_107 = vector.broadcast %parallel_loop3A_106 : i32 to vector<16xi32>
      %parallel_loop3A_108 = arith.shrsi %parallel_loop3A_102, %parallel_loop3A_107 : vector<16xi32>
      %parallel_loop3A_109 = arith.addi %mul3A_38, %parallel_loop3A_105 : vector<16xi32>
      tpu.vector_store_idx %arg4[%parallel_loop3A_109], %broadcast_in_dim3A_39 {add = true} : memref<32768xf32, #tpu.memory_space<vmem>>[vector<16xi32>], vector<16xf32>,
      %parallel_loop3A_110 = arith.addi %mul3A_38, %parallel_loop3A_108 : vector<16xi32>
      tpu.vector_store_idx %arg5[%parallel_loop3A_110], %broadcast_in_dim3A_39 {add = true} : memref<32768xf32, #tpu.memory_space<vmem>>[vector<16xi32>], vector<16xf32>,
    } {sc.loop_unroll_factor = 8 : i64, sc.parallel_access}
    %dma_wait3A_78 = arith.constant 1 : i32
    %dma_wait3A_79 = arith.constant 0 : i32
    %dma_wait3A_80 = tpu.memref_slice %arg6[%dma_wait3A_78, %dma_wait3A_79] : memref<2x16384xi32, #tpu.memory_space<vmem>> -> memref<1x16384xi32, #tpu.memory_space<vmem>>
    %dma_wait3A_81 = tpu.memref_squeeze %dma_wait3A_80 : memref<1x16384xi32, #tpu.memory_space<vmem>> -> memref<16384xi32, #tpu.memory_space<vmem>>
    %dma_wait3A_82 = tpu.memref_slice %arg2[%multiple_of3A_65] : memref<1048576xi32, #tpu.memory_space<hbm>> -> memref<16384xi32, #tpu.memory_space<hbm>>
    %dma_wait3A_83 = arith.constant 0 : i32
    %dma_wait3A_84 = tpu.memref_slice %arg6[%dma_wait3A_78, %dma_wait3A_83] : memref<2x16384xi32, #tpu.memory_space<vmem>> -> memref<1x16384xi32, #tpu.memory_space<vmem>>
    %dma_wait3A_85 = tpu.memref_squeeze %dma_wait3A_84 : memref<1x16384xi32, #tpu.memory_space<vmem>> -> memref<16384xi32, #tpu.memory_space<vmem>>
    %dma_wait3A_86 = tpu.memref_slice %arg2[%multiple_of3A_65] : memref<1048576xi32, #tpu.memory_space<hbm>> -> memref<16384xi32, #tpu.memory_space<hbm>>
    tpu.wait_dma2 semaphore(%arg12 : memref<!tpu.dma_semaphore, #tpu.memory_space<semaphore_mem>>) src(%dma_wait3A_86 : memref<16384xi32, #tpu.memory_space<hbm>>) dst(%dma_wait3A_85 : memref<16384xi32, #tpu.memory_space<vmem>>)
    %parallel_loop3A_87 = arith.constant 0 : i32
    %parallel_loop3A_88 = arith.constant 1024 : i32
    %parallel_loop3A_89 = arith.constant 1 : i32
    scf.for %parallel_loop3A_96 = %parallel_loop3A_87 to %parallel_loop3A_88 step %parallel_loop3A_89  : i32 {
      %parallel_loop3A_97 = arith.constant 16 : i32
      %parallel_loop3A_98 = arith.muli %parallel_loop3A_96, %parallel_loop3A_97 : i32
      %parallel_loop3A_99 = arith.constant 1 : i32
      %parallel_loop3A_100 = arith.index_cast %parallel_loop3A_99 : i32 to index
      %parallel_loop3A_101 = arith.index_cast %parallel_loop3A_98 : i32 to index
      %parallel_loop3A_102 = tpu.vector_load %arg6[%parallel_loop3A_100, %parallel_loop3A_101] {strides = array<i32>} : memref<2x16384xi32, #tpu.memory_space<vmem>>, vector<16xi32>,
      %parallel_loop3A_103 = arith.constant 65535 : i32
      %parallel_loop3A_104 = vector.broadcast %parallel_loop3A_103 : i32 to vector<16xi32>
      %parallel_loop3A_105 = arith.andi %parallel_loop3A_102, %parallel_loop3A_104 : vector<16xi32>
      %parallel_loop3A_106 = arith.constant 16 : i32
      %parallel_loop3A_107 = vector.broadcast %parallel_loop3A_106 : i32 to vector<16xi32>
      %parallel_loop3A_108 = arith.shrsi %parallel_loop3A_102, %parallel_loop3A_107 : vector<16xi32>
      %parallel_loop3A_109 = arith.addi %mul3A_38, %parallel_loop3A_105 : vector<16xi32>
      tpu.vector_store_idx %arg4[%parallel_loop3A_109], %broadcast_in_dim3A_39 {add = true} : memref<32768xf32, #tpu.memory_space<vmem>>[vector<16xi32>], vector<16xf32>,
      %parallel_loop3A_110 = arith.addi %mul3A_38, %parallel_loop3A_108 : vector<16xi32>
      tpu.vector_store_idx %arg5[%parallel_loop3A_110], %broadcast_in_dim3A_39 {add = true} : memref<32768xf32, #tpu.memory_space<vmem>>[vector<16xi32>], vector<16xf32>,
    } {sc.loop_unroll_factor = 8 : i64, sc.parallel_access}
    %parallel_loop3A_90 = arith.constant 0 : i32
    %parallel_loop3A_91 = arith.constant 128 : i32
    %parallel_loop3A_92 = arith.constant 1 : i32
    scf.for %parallel_loop3A_96 = %parallel_loop3A_90 to %parallel_loop3A_91 step %parallel_loop3A_92  : i32 {
      %parallel_loop3A_97 = arith.constant 16 : i32
      %parallel_loop3A_98 = arith.muli %parallel_loop3A_96, %parallel_loop3A_97 : i32
      %parallel_loop3A_99 = arith.index_cast %parallel_loop3A_98 : i32 to index
      %parallel_loop3A_100 = tpu.vector_load %arg4[%parallel_loop3A_99] {strides = array<i32>} : memref<32768xf32, #tpu.memory_space<vmem>>, vector<16xf32>,
      %parallel_loop3A_101 = arith.constant 16 : i32
      %parallel_loop3A_102 = arith.muli %parallel_loop3A_96, %parallel_loop3A_101 : i32
      %parallel_loop3A_103 = arith.index_cast %parallel_loop3A_102 : i32 to index
      %parallel_loop3A_104 = tpu.vector_load %arg5[%parallel_loop3A_103] {strides = array<i32>} : memref<32768xf32, #tpu.memory_space<vmem>>, vector<16xf32>,
      %parallel_loop3A_105 = arith.addf %parallel_loop3A_100, %parallel_loop3A_104 : vector<16xf32>
      %parallel_loop3A_106 = arith.constant 16 : i32
      %parallel_loop3A_107 = arith.muli %parallel_loop3A_96, %parallel_loop3A_106 : i32
      %parallel_loop3A_108 = arith.constant 2048 : i32
      %parallel_loop3A_109 = arith.addi %parallel_loop3A_108, %parallel_loop3A_107 : i32
      %parallel_loop3A_110 = arith.index_cast %parallel_loop3A_109 : i32 to index
      %parallel_loop3A_111 = tpu.vector_load %arg4[%parallel_loop3A_110] {strides = array<i32>} : memref<32768xf32, #tpu.memory_space<vmem>>, vector<16xf32>,
      %parallel_loop3A_112 = arith.addf %parallel_loop3A_105, %parallel_loop3A_111 : vector<16xf32>
      %parallel_loop3A_113 = arith.constant 16 : i32
      %parallel_loop3A_114 = arith.muli %parallel_loop3A_96, %parallel_loop3A_113 : i32
      %parallel_loop3A_115 = arith.constant 2048 : i32
      %parallel_loop3A_116 = arith.addi %parallel_loop3A_115, %parallel_loop3A_114 : i32
      %parallel_loop3A_117 = arith.index_cast %parallel_loop3A_116 : i32 to index
      %parallel_loop3A_118 = tpu.vector_load %arg5[%parallel_loop3A_117] {strides = array<i32>} : memref<32768xf32, #tpu.memory_space<vmem>>, vector<16xf32>,
      %parallel_loop3A_119 = arith.addf %parallel_loop3A_112, %parallel_loop3A_118 : vector<16xf32>
      %parallel_loop3A_120 = arith.constant 16 : i32
      %parallel_loop3A_121 = arith.muli %parallel_loop3A_96, %parallel_loop3A_120 : i32
      %parallel_loop3A_122 = arith.constant 4096 : i32
      %parallel_loop3A_123 = arith.addi %parallel_loop3A_122, %parallel_loop3A_121 : i32
      %parallel_loop3A_124 = arith.index_cast %parallel_loop3A_123 : i32 to index
      %parallel_loop3A_125 = tpu.vector_load %arg4[%parallel_loop3A_124] {strides = array<i32>} : memref<32768xf32, #tpu.memory_space<vmem>>, vector<16xf32>,
      %parallel_loop3A_126 = arith.addf %parallel_loop3A_119, %parallel_loop3A_125 : vector<16xf32>
      %parallel_loop3A_127 = arith.constant 16 : i32
      %parallel_loop3A_128 = arith.muli %parallel_loop3A_96, %parallel_loop3A_127 : i32
      %parallel_loop3A_129 = arith.constant 4096 : i32
      %parallel_loop3A_130 = arith.addi %parallel_loop3A_129, %parallel_loop3A_128 : i32
      %parallel_loop3A_131 = arith.index_cast %parallel_loop3A_130 : i32 to index
      %parallel_loop3A_132 = tpu.vector_load %arg5[%parallel_loop3A_131] {strides = array<i32>} : memref<32768xf32, #tpu.memory_space<vmem>>, vector<16xf32>,
      %parallel_loop3A_133 = arith.addf %parallel_loop3A_126, %parallel_loop3A_132 : vector<16xf32>
      %parallel_loop3A_134 = arith.constant 16 : i32
      %parallel_loop3A_135 = arith.muli %parallel_loop3A_96, %parallel_loop3A_134 : i32
      %parallel_loop3A_136 = arith.constant 6144 : i32
      %parallel_loop3A_137 = arith.addi %parallel_loop3A_136, %parallel_loop3A_135 : i32
      %parallel_loop3A_138 = arith.index_cast %parallel_loop3A_137 : i32 to index
      %parallel_loop3A_139 = tpu.vector_load %arg4[%parallel_loop3A_138] {strides = array<i32>} : memref<32768xf32, #tpu.memory_space<vmem>>, vector<16xf32>,
      %parallel_loop3A_140 = arith.addf %parallel_loop3A_133, %parallel_loop3A_139 : vector<16xf32>
      %parallel_loop3A_141 = arith.constant 16 : i32
      %parallel_loop3A_142 = arith.muli %parallel_loop3A_96, %parallel_loop3A_141 : i32
      %parallel_loop3A_143 = arith.constant 6144 : i32
      %parallel_loop3A_144 = arith.addi %parallel_loop3A_143, %parallel_loop3A_142 : i32
      %parallel_loop3A_145 = arith.index_cast %parallel_loop3A_144 : i32 to index
      %parallel_loop3A_146 = tpu.vector_load %arg5[%parallel_loop3A_145] {strides = array<i32>} : memref<32768xf32, #tpu.memory_space<vmem>>, vector<16xf32>,
      %parallel_loop3A_147 = arith.addf %parallel_loop3A_140, %parallel_loop3A_146 : vector<16xf32>
      %parallel_loop3A_148 = arith.constant 16 : i32
      %parallel_loop3A_149 = arith.muli %parallel_loop3A_96, %parallel_loop3A_148 : i32
      %parallel_loop3A_150 = arith.constant 8192 : i32
      %parallel_loop3A_151 = arith.addi %parallel_loop3A_150, %parallel_loop3A_149 : i32
      %parallel_loop3A_152 = arith.index_cast %parallel_loop3A_151 : i32 to index
      %parallel_loop3A_153 = tpu.vector_load %arg4[%parallel_loop3A_152] {strides = array<i32>} : memref<32768xf32, #tpu.memory_space<vmem>>, vector<16xf32>,
      %parallel_loop3A_154 = arith.addf %parallel_loop3A_147, %parallel_loop3A_153 : vector<16xf32>
      %parallel_loop3A_155 = arith.constant 16 : i32
      %parallel_loop3A_156 = arith.muli %parallel_loop3A_96, %parallel_loop3A_155 : i32
      %parallel_loop3A_157 = arith.constant 8192 : i32
      %parallel_loop3A_158 = arith.addi %parallel_loop3A_157, %parallel_loop3A_156 : i32
      %parallel_loop3A_159 = arith.index_cast %parallel_loop3A_158 : i32 to index
      %parallel_loop3A_160 = tpu.vector_load %arg5[%parallel_loop3A_159] {strides = array<i32>} : memref<32768xf32, #tpu.memory_space<vmem>>, vector<16xf32>,
      %parallel_loop3A_161 = arith.addf %parallel_loop3A_154, %parallel_loop3A_160 : vector<16xf32>
      %parallel_loop3A_162 = arith.constant 16 : i32
      %parallel_loop3A_163 = arith.muli %parallel_loop3A_96, %parallel_loop3A_162 : i32
      %parallel_loop3A_164 = arith.constant 10240 : i32
      %parallel_loop3A_165 = arith.addi %parallel_loop3A_164, %parallel_loop3A_163 : i32
      %parallel_loop3A_166 = arith.index_cast %parallel_loop3A_165 : i32 to index
      %parallel_loop3A_167 = tpu.vector_load %arg4[%parallel_loop3A_166] {strides = array<i32>} : memref<32768xf32, #tpu.memory_space<vmem>>, vector<16xf32>,
      %parallel_loop3A_168 = arith.addf %parallel_loop3A_161, %parallel_loop3A_167 : vector<16xf32>
      %parallel_loop3A_169 = arith.constant 16 : i32
      %parallel_loop3A_170 = arith.muli %parallel_loop3A_96, %parallel_loop3A_169 : i32
      %parallel_loop3A_171 = arith.constant 10240 : i32
      %parallel_loop3A_172 = arith.addi %parallel_loop3A_171, %parallel_loop3A_170 : i32
      %parallel_loop3A_173 = arith.index_cast %parallel_loop3A_172 : i32 to index
      %parallel_loop3A_174 = tpu.vector_load %arg5[%parallel_loop3A_173] {strides = array<i32>} : memref<32768xf32, #tpu.memory_space<vmem>>, vector<16xf32>,
      %parallel_loop3A_175 = arith.addf %parallel_loop3A_168, %parallel_loop3A_174 : vector<16xf32>
      %parallel_loop3A_176 = arith.constant 16 : i32
      %parallel_loop3A_177 = arith.muli %parallel_loop3A_96, %parallel_loop3A_176 : i32
      %parallel_loop3A_178 = arith.constant 12288 : i32
      %parallel_loop3A_179 = arith.addi %parallel_loop3A_178, %parallel_loop3A_177 : i32
      %parallel_loop3A_180 = arith.index_cast %parallel_loop3A_179 : i32 to index
      %parallel_loop3A_181 = tpu.vector_load %arg4[%parallel_loop3A_180] {strides = array<i32>} : memref<32768xf32, #tpu.memory_space<vmem>>, vector<16xf32>,
      %parallel_loop3A_182 = arith.addf %parallel_loop3A_175, %parallel_loop3A_181 : vector<16xf32>
      %parallel_loop3A_183 = arith.constant 16 : i32
      %parallel_loop3A_184 = arith.muli %parallel_loop3A_96, %parallel_loop3A_183 : i32
      %parallel_loop3A_185 = arith.constant 12288 : i32
      %parallel_loop3A_186 = arith.addi %parallel_loop3A_185, %parallel_loop3A_184 : i32
      %parallel_loop3A_187 = arith.index_cast %parallel_loop3A_186 : i32 to index
      %parallel_loop3A_188 = tpu.vector_load %arg5[%parallel_loop3A_187] {strides = array<i32>} : memref<32768xf32, #tpu.memory_space<vmem>>, vector<16xf32>,
      %parallel_loop3A_189 = arith.addf %parallel_loop3A_182, %parallel_loop3A_188 : vector<16xf32>
      %parallel_loop3A_190 = arith.constant 16 : i32
      %parallel_loop3A_191 = arith.muli %parallel_loop3A_96, %parallel_loop3A_190 : i32
      %parallel_loop3A_192 = arith.constant 14336 : i32
      %parallel_loop3A_193 = arith.addi %parallel_loop3A_192, %parallel_loop3A_191 : i32
      %parallel_loop3A_194 = arith.index_cast %parallel_loop3A_193 : i32 to index
      %parallel_loop3A_195 = tpu.vector_load %arg4[%parallel_loop3A_194] {strides = array<i32>} : memref<32768xf32, #tpu.memory_space<vmem>>, vector<16xf32>,
      %parallel_loop3A_196 = arith.addf %parallel_loop3A_189, %parallel_loop3A_195 : vector<16xf32>
      %parallel_loop3A_197 = arith.constant 16 : i32
      %parallel_loop3A_198 = arith.muli %parallel_loop3A_96, %parallel_loop3A_197 : i32
      %parallel_loop3A_199 = arith.constant 14336 : i32
      %parallel_loop3A_200 = arith.addi %parallel_loop3A_199, %parallel_loop3A_198 : i32
      %parallel_loop3A_201 = arith.index_cast %parallel_loop3A_200 : i32 to index
      %parallel_loop3A_202 = tpu.vector_load %arg5[%parallel_loop3A_201] {strides = array<i32>} : memref<32768xf32, #tpu.memory_space<vmem>>, vector<16xf32>,
      %parallel_loop3A_203 = arith.addf %parallel_loop3A_196, %parallel_loop3A_202 : vector<16xf32>
      %parallel_loop3A_204 = arith.constant 16 : i32
      %parallel_loop3A_205 = arith.muli %parallel_loop3A_96, %parallel_loop3A_204 : i32
      %parallel_loop3A_206 = arith.constant 16384 : i32
      %parallel_loop3A_207 = arith.addi %parallel_loop3A_206, %parallel_loop3A_205 : i32
      %parallel_loop3A_208 = arith.index_cast %parallel_loop3A_207 : i32 to index
      %parallel_loop3A_209 = tpu.vector_load %arg4[%parallel_loop3A_208] {strides = array<i32>} : memref<32768xf32, #tpu.memory_space<vmem>>, vector<16xf32>,
      %parallel_loop3A_210 = arith.addf %parallel_loop3A_203, %parallel_loop3A_209 : vector<16xf32>
      %parallel_loop3A_211 = arith.constant 16 : i32
      %parallel_loop3A_212 = arith.muli %parallel_loop3A_96, %parallel_loop3A_211 : i32
      %parallel_loop3A_213 = arith.constant 16384 : i32
      %parallel_loop3A_214 = arith.addi %parallel_loop3A_213, %parallel_loop3A_212 : i32
      %parallel_loop3A_215 = arith.index_cast %parallel_loop3A_214 : i32 to index
      %parallel_loop3A_216 = tpu.vector_load %arg5[%parallel_loop3A_215] {strides = array<i32>} : memref<32768xf32, #tpu.memory_space<vmem>>, vector<16xf32>,
      %parallel_loop3A_217 = arith.addf %parallel_loop3A_210, %parallel_loop3A_216 : vector<16xf32>
      %parallel_loop3A_218 = arith.constant 16 : i32
      %parallel_loop3A_219 = arith.muli %parallel_loop3A_96, %parallel_loop3A_218 : i32
      %parallel_loop3A_220 = arith.constant 18432 : i32
      %parallel_loop3A_221 = arith.addi %parallel_loop3A_220, %parallel_loop3A_219 : i32
      %parallel_loop3A_222 = arith.index_cast %parallel_loop3A_221 : i32 to index
      %parallel_loop3A_223 = tpu.vector_load %arg4[%parallel_loop3A_222] {strides = array<i32>} : memref<32768xf32, #tpu.memory_space<vmem>>, vector<16xf32>,
      %parallel_loop3A_224 = arith.addf %parallel_loop3A_217, %parallel_loop3A_223 : vector<16xf32>
      %parallel_loop3A_225 = arith.constant 16 : i32
      %parallel_loop3A_226 = arith.muli %parallel_loop3A_96, %parallel_loop3A_225 : i32
      %parallel_loop3A_227 = arith.constant 18432 : i32
      %parallel_loop3A_228 = arith.addi %parallel_loop3A_227, %parallel_loop3A_226 : i32
      %parallel_loop3A_229 = arith.index_cast %parallel_loop3A_228 : i32 to index
      %parallel_loop3A_230 = tpu.vector_load %arg5[%parallel_loop3A_229] {strides = array<i32>} : memref<32768xf32, #tpu.memory_space<vmem>>, vector<16xf32>,
      %parallel_loop3A_231 = arith.addf %parallel_loop3A_224, %parallel_loop3A_230 : vector<16xf32>
      %parallel_loop3A_232 = arith.constant 16 : i32
      %parallel_loop3A_233 = arith.muli %parallel_loop3A_96, %parallel_loop3A_232 : i32
      %parallel_loop3A_234 = arith.constant 20480 : i32
      %parallel_loop3A_235 = arith.addi %parallel_loop3A_234, %parallel_loop3A_233 : i32
      %parallel_loop3A_236 = arith.index_cast %parallel_loop3A_235 : i32 to index
      %parallel_loop3A_237 = tpu.vector_load %arg4[%parallel_loop3A_236] {strides = array<i32>} : memref<32768xf32, #tpu.memory_space<vmem>>, vector<16xf32>,
      %parallel_loop3A_238 = arith.addf %parallel_loop3A_231, %parallel_loop3A_237 : vector<16xf32>
      %parallel_loop3A_239 = arith.constant 16 : i32
      %parallel_loop3A_240 = arith.muli %parallel_loop3A_96, %parallel_loop3A_239 : i32
      %parallel_loop3A_241 = arith.constant 20480 : i32
      %parallel_loop3A_242 = arith.addi %parallel_loop3A_241, %parallel_loop3A_240 : i32
      %parallel_loop3A_243 = arith.index_cast %parallel_loop3A_242 : i32 to index
      %parallel_loop3A_244 = tpu.vector_load %arg5[%parallel_loop3A_243] {strides = array<i32>} : memref<32768xf32, #tpu.memory_space<vmem>>, vector<16xf32>,
      %parallel_loop3A_245 = arith.addf %parallel_loop3A_238, %parallel_loop3A_244 : vector<16xf32>
      %parallel_loop3A_246 = arith.constant 16 : i32
      %parallel_loop3A_247 = arith.muli %parallel_loop3A_96, %parallel_loop3A_246 : i32
      %parallel_loop3A_248 = arith.constant 22528 : i32
      %parallel_loop3A_249 = arith.addi %parallel_loop3A_248, %parallel_loop3A_247 : i32
      %parallel_loop3A_250 = arith.index_cast %parallel_loop3A_249 : i32 to index
      %parallel_loop3A_251 = tpu.vector_load %arg4[%parallel_loop3A_250] {strides = array<i32>} : memref<32768xf32, #tpu.memory_space<vmem>>, vector<16xf32>,
      %parallel_loop3A_252 = arith.addf %parallel_loop3A_245, %parallel_loop3A_251 : vector<16xf32>
      %parallel_loop3A_253 = arith.constant 16 : i32
      %parallel_loop3A_254 = arith.muli %parallel_loop3A_96, %parallel_loop3A_253 : i32
      %parallel_loop3A_255 = arith.constant 22528 : i32
      %parallel_loop3A_256 = arith.addi %parallel_loop3A_255, %parallel_loop3A_254 : i32
      %parallel_loop3A_257 = arith.index_cast %parallel_loop3A_256 : i32 to index
      %parallel_loop3A_258 = tpu.vector_load %arg5[%parallel_loop3A_257] {strides = array<i32>} : memref<32768xf32, #tpu.memory_space<vmem>>, vector<16xf32>,
      %parallel_loop3A_259 = arith.addf %parallel_loop3A_252, %parallel_loop3A_258 : vector<16xf32>
      %parallel_loop3A_260 = arith.constant 16 : i32
      %parallel_loop3A_261 = arith.muli %parallel_loop3A_96, %parallel_loop3A_260 : i32
      %parallel_loop3A_262 = arith.constant 24576 : i32
      %parallel_loop3A_263 = arith.addi %parallel_loop3A_262, %parallel_loop3A_261 : i32
      %parallel_loop3A_264 = arith.index_cast %parallel_loop3A_263 : i32 to index
      %parallel_loop3A_265 = tpu.vector_load %arg4[%parallel_loop3A_264] {strides = array<i32>} : memref<32768xf32, #tpu.memory_space<vmem>>, vector<16xf32>,
      %parallel_loop3A_266 = arith.addf %parallel_loop3A_259, %parallel_loop3A_265 : vector<16xf32>
      %parallel_loop3A_267 = arith.constant 16 : i32
      %parallel_loop3A_268 = arith.muli %parallel_loop3A_96, %parallel_loop3A_267 : i32
      %parallel_loop3A_269 = arith.constant 24576 : i32
      %parallel_loop3A_270 = arith.addi %parallel_loop3A_269, %parallel_loop3A_268 : i32
      %parallel_loop3A_271 = arith.index_cast %parallel_loop3A_270 : i32 to index
      %parallel_loop3A_272 = tpu.vector_load %arg5[%parallel_loop3A_271] {strides = array<i32>} : memref<32768xf32, #tpu.memory_space<vmem>>, vector<16xf32>,
      %parallel_loop3A_273 = arith.addf %parallel_loop3A_266, %parallel_loop3A_272 : vector<16xf32>
      %parallel_loop3A_274 = arith.constant 16 : i32
      %parallel_loop3A_275 = arith.muli %parallel_loop3A_96, %parallel_loop3A_274 : i32
      %parallel_loop3A_276 = arith.constant 26624 : i32
      %parallel_loop3A_277 = arith.addi %parallel_loop3A_276, %parallel_loop3A_275 : i32
      %parallel_loop3A_278 = arith.index_cast %parallel_loop3A_277 : i32 to index
      %parallel_loop3A_279 = tpu.vector_load %arg4[%parallel_loop3A_278] {strides = array<i32>} : memref<32768xf32, #tpu.memory_space<vmem>>, vector<16xf32>,
      %parallel_loop3A_280 = arith.addf %parallel_loop3A_273, %parallel_loop3A_279 : vector<16xf32>
      %parallel_loop3A_281 = arith.constant 16 : i32
      %parallel_loop3A_282 = arith.muli %parallel_loop3A_96, %parallel_loop3A_281 : i32
      %parallel_loop3A_283 = arith.constant 26624 : i32
      %parallel_loop3A_284 = arith.addi %parallel_loop3A_283, %parallel_loop3A_282 : i32
      %parallel_loop3A_285 = arith.index_cast %parallel_loop3A_284 : i32 to index
      %parallel_loop3A_286 = tpu.vector_load %arg5[%parallel_loop3A_285] {strides = array<i32>} : memref<32768xf32, #tpu.memory_space<vmem>>, vector<16xf32>,
      %parallel_loop3A_287 = arith.addf %parallel_loop3A_280, %parallel_loop3A_286 : vector<16xf32>
      %parallel_loop3A_288 = arith.constant 16 : i32
      %parallel_loop3A_289 = arith.muli %parallel_loop3A_96, %parallel_loop3A_288 : i32
      %parallel_loop3A_290 = arith.constant 28672 : i32
      %parallel_loop3A_291 = arith.addi %parallel_loop3A_290, %parallel_loop3A_289 : i32
      %parallel_loop3A_292 = arith.index_cast %parallel_loop3A_291 : i32 to index
      %parallel_loop3A_293 = tpu.vector_load %arg4[%parallel_loop3A_292] {strides = array<i32>} : memref<32768xf32, #tpu.memory_space<vmem>>, vector<16xf32>,
      %parallel_loop3A_294 = arith.addf %parallel_loop3A_287, %parallel_loop3A_293 : vector<16xf32>
      %parallel_loop3A_295 = arith.constant 16 : i32
      %parallel_loop3A_296 = arith.muli %parallel_loop3A_96, %parallel_loop3A_295 : i32
      %parallel_loop3A_297 = arith.constant 28672 : i32
      %parallel_loop3A_298 = arith.addi %parallel_loop3A_297, %parallel_loop3A_296 : i32
      %parallel_loop3A_299 = arith.index_cast %parallel_loop3A_298 : i32 to index
      %parallel_loop3A_300 = tpu.vector_load %arg5[%parallel_loop3A_299] {strides = array<i32>} : memref<32768xf32, #tpu.memory_space<vmem>>, vector<16xf32>,
      %parallel_loop3A_301 = arith.addf %parallel_loop3A_294, %parallel_loop3A_300 : vector<16xf32>
      %parallel_loop3A_302 = arith.constant 16 : i32
      %parallel_loop3A_303 = arith.muli %parallel_loop3A_96, %parallel_loop3A_302 : i32
      %parallel_loop3A_304 = arith.constant 30720 : i32
      %parallel_loop3A_305 = arith.addi %parallel_loop3A_304, %parallel_loop3A_303 : i32
      %parallel_loop3A_306 = arith.index_cast %parallel_loop3A_305 : i32 to index
      %parallel_loop3A_307 = tpu.vector_load %arg4[%parallel_loop3A_306] {strides = array<i32>} : memref<32768xf32, #tpu.memory_space<vmem>>, vector<16xf32>,
      %parallel_loop3A_308 = arith.addf %parallel_loop3A_301, %parallel_loop3A_307 : vector<16xf32>
      %parallel_loop3A_309 = arith.constant 16 : i32
      %parallel_loop3A_310 = arith.muli %parallel_loop3A_96, %parallel_loop3A_309 : i32
      %parallel_loop3A_311 = arith.constant 30720 : i32
      %parallel_loop3A_312 = arith.addi %parallel_loop3A_311, %parallel_loop3A_310 : i32
      %parallel_loop3A_313 = arith.index_cast %parallel_loop3A_312 : i32 to index
      %parallel_loop3A_314 = tpu.vector_load %arg5[%parallel_loop3A_313] {strides = array<i32>} : memref<32768xf32, #tpu.memory_space<vmem>>, vector<16xf32>,
      %parallel_loop3A_315 = arith.addf %parallel_loop3A_308, %parallel_loop3A_314 : vector<16xf32>
      %parallel_loop3A_316 = arith.constant 16 : i32
      %parallel_loop3A_317 = arith.muli %parallel_loop3A_96, %parallel_loop3A_316 : i32
      %parallel_loop3A_318 = arith.index_cast %parallel_loop3A_317 : i32 to index
      %parallel_loop3A_319 = tpu.vector_load %arg7[%parallel_loop3A_318] {strides = array<i32>} : memref<2048xf32, #tpu.memory_space<vmem>>, vector<16xf32>,
      tpu.vector_store %arg7[%parallel_loop3A_318], %parallel_loop3A_315 {strides = array<i32>} : memref<2048xf32, #tpu.memory_space<vmem>>, vector<16xf32>,
    } {sc.loop_unroll_factor = 2 : i64, sc.parallel_access}
    "tpu.region"() ({
      %run_scoped3A = tpu.sem_alloc : memref<!tpu.dma_semaphore, #tpu.memory_space<semaphore_mem>>
      %dma_start3A_96 = arith.constant 0 : i32
      %dma_start3A_97 = tpu.memref_slice %arg10[%arg1, %dma_start3A_96] : memref<16x2048xf32, #tpu.memory_space<vmem_shared>> -> memref<1x2048xf32, #tpu.memory_space<vmem_shared>>
      %dma_start3A_98 = tpu.memref_squeeze %dma_start3A_97 : memref<1x2048xf32, #tpu.memory_space<vmem_shared>> -> memref<2048xf32, #tpu.memory_space<vmem_shared>>
      %dma_start3A_99 = arith.constant 0 : i32
      %dma_start3A_100 = tpu.memref_slice %arg10[%arg1, %dma_start3A_99] : memref<16x2048xf32, #tpu.memory_space<vmem_shared>> -> memref<1x2048xf32, #tpu.memory_space<vmem_shared>>
      %dma_start3A_101 = tpu.memref_squeeze %dma_start3A_100 : memref<1x2048xf32, #tpu.memory_space<vmem_shared>> -> memref<2048xf32, #tpu.memory_space<vmem_shared>>
      tpu.enqueue_dma source(%arg7 : memref<2048xf32, #tpu.memory_space<vmem>>) target(%dma_start3A_101 : memref<2048xf32, #tpu.memory_space<vmem_shared>>) target_semaphore(%run_scoped3A : memref<!tpu.dma_semaphore, #tpu.memory_space<semaphore_mem>>)
      %dma_wait3A_102 = arith.constant 0 : i32
      %dma_wait3A_103 = tpu.memref_slice %arg10[%arg1, %dma_wait3A_102] : memref<16x2048xf32, #tpu.memory_space<vmem_shared>> -> memref<1x2048xf32, #tpu.memory_space<vmem_shared>>
      %dma_wait3A_104 = tpu.memref_squeeze %dma_wait3A_103 : memref<1x2048xf32, #tpu.memory_space<vmem_shared>> -> memref<2048xf32, #tpu.memory_space<vmem_shared>>
      %dma_wait3A_105 = arith.constant 0 : i32
      %dma_wait3A_106 = tpu.memref_slice %arg10[%arg1, %dma_wait3A_105] : memref<16x2048xf32, #tpu.memory_space<vmem_shared>> -> memref<1x2048xf32, #tpu.memory_space<vmem_shared>>
      %dma_wait3A_107 = tpu.memref_squeeze %dma_wait3A_106 : memref<1x2048xf32, #tpu.memory_space<vmem_shared>> -> memref<2048xf32, #tpu.memory_space<vmem_shared>>
      tpu.wait_dma2 semaphore(%run_scoped3A : memref<!tpu.dma_semaphore, #tpu.memory_space<semaphore_mem>>) src(%arg7 : memref<2048xf32, #tpu.memory_space<vmem>>) dst(%dma_wait3A_107 : memref<2048xf32, #tpu.memory_space<vmem_shared>>)
      tpu.yield
    }) : () -> ()
    %barrier3A = arith.constant 0 : index
    tpu.barrier barrier_id(%barrier3A)
    %eq3A_93 = arith.constant 0 : i32
    %eq3A_94 = arith.cmpi eq, %select_n3A_30, %eq3A_93 : i32
    %convert_element_type3A = arith.extui %eq3A_94 : i1 to i32
    %cond3A = arith.constant 0 : i32
    %cond3A_95 = arith.cmpi ne, %convert_element_type3A, %cond3A : i32
    scf.if %cond3A_95 {
      %add3A_96 = arith.constant 0 : i32
      %add3A_97 = arith.addi %arg1, %add3A_96 : i32
      %run_scoped3A = arith.constant 0 : i32
      "tpu.region"() ({
        %run_scoped3A_139 = tpu.sem_alloc : memref<!tpu.dma_semaphore, #tpu.memory_space<semaphore_mem>>
        %dma_start3A_140 = arith.constant 0 : i32
        %dma_start3A_141 = tpu.memref_slice %arg8[%run_scoped3A, %dma_start3A_140] : memref<4x2048xf32, #tpu.memory_space<vmem>> -> memref<1x2048xf32, #tpu.memory_space<vmem>>
        %dma_start3A_142 = tpu.memref_squeeze %dma_start3A_141 : memref<1x2048xf32, #tpu.memory_space<vmem>> -> memref<2048xf32, #tpu.memory_space<vmem>>
        %dma_start3A_143 = arith.constant 0 : i32
        %dma_start3A_144 = tpu.memref_slice %arg10[%add3A_97, %dma_start3A_143] : memref<16x2048xf32, #tpu.memory_space<vmem_shared>> -> memref<1x2048xf32, #tpu.memory_space<vmem_shared>>
        %dma_start3A_145 = tpu.memref_squeeze %dma_start3A_144 : memref<1x2048xf32, #tpu.memory_space<vmem_shared>> -> memref<2048xf32, #tpu.memory_space<vmem_shared>>
        %dma_start3A_146 = arith.constant 0 : i32
        %dma_start3A_147 = tpu.memref_slice %arg8[%run_scoped3A, %dma_start3A_146] : memref<4x2048xf32, #tpu.memory_space<vmem>> -> memref<1x2048xf32, #tpu.memory_space<vmem>>
        %dma_start3A_148 = tpu.memref_squeeze %dma_start3A_147 : memref<1x2048xf32, #tpu.memory_space<vmem>> -> memref<2048xf32, #tpu.memory_space<vmem>>
        %dma_start3A_149 = arith.constant 0 : i32
        %dma_start3A_150 = tpu.memref_slice %arg10[%add3A_97, %dma_start3A_149] : memref<16x2048xf32, #tpu.memory_space<vmem_shared>> -> memref<1x2048xf32, #tpu.memory_space<vmem_shared>>
        %dma_start3A_151 = tpu.memref_squeeze %dma_start3A_150 : memref<1x2048xf32, #tpu.memory_space<vmem_shared>> -> memref<2048xf32, #tpu.memory_space<vmem_shared>>
        tpu.enqueue_dma source(%dma_start3A_151 : memref<2048xf32, #tpu.memory_space<vmem_shared>>) target(%dma_start3A_148 : memref<2048xf32, #tpu.memory_space<vmem>>) target_semaphore(%run_scoped3A_139 : memref<!tpu.dma_semaphore, #tpu.memory_space<semaphore_mem>>)
        %dma_wait3A_152 = arith.constant 0 : i32
        %dma_wait3A_153 = tpu.memref_slice %arg8[%run_scoped3A, %dma_wait3A_152] : memref<4x2048xf32, #tpu.memory_space<vmem>> -> memref<1x2048xf32, #tpu.memory_space<vmem>>
        %dma_wait3A_154 = tpu.memref_squeeze %dma_wait3A_153 : memref<1x2048xf32, #tpu.memory_space<vmem>> -> memref<2048xf32, #tpu.memory_space<vmem>>
        %dma_wait3A_155 = arith.constant 0 : i32
        %dma_wait3A_156 = tpu.memref_slice %arg10[%add3A_97, %dma_wait3A_155] : memref<16x2048xf32, #tpu.memory_space<vmem_shared>> -> memref<1x2048xf32, #tpu.memory_space<vmem_shared>>
        %dma_wait3A_157 = tpu.memref_squeeze %dma_wait3A_156 : memref<1x2048xf32, #tpu.memory_space<vmem_shared>> -> memref<2048xf32, #tpu.memory_space<vmem_shared>>
        %dma_wait3A_158 = arith.constant 0 : i32
        %dma_wait3A_159 = tpu.memref_slice %arg8[%run_scoped3A, %dma_wait3A_158] : memref<4x2048xf32, #tpu.memory_space<vmem>> -> memref<1x2048xf32, #tpu.memory_space<vmem>>
        %dma_wait3A_160 = tpu.memref_squeeze %dma_wait3A_159 : memref<1x2048xf32, #tpu.memory_space<vmem>> -> memref<2048xf32, #tpu.memory_space<vmem>>
        %dma_wait3A_161 = arith.constant 0 : i32
        %dma_wait3A_162 = tpu.memref_slice %arg10[%add3A_97, %dma_wait3A_161] : memref<16x2048xf32, #tpu.memory_space<vmem_shared>> -> memref<1x2048xf32, #tpu.memory_space<vmem_shared>>
        %dma_wait3A_163 = tpu.memref_squeeze %dma_wait3A_162 : memref<1x2048xf32, #tpu.memory_space<vmem_shared>> -> memref<2048xf32, #tpu.memory_space<vmem_shared>>
        tpu.wait_dma2 semaphore(%run_scoped3A_139 : memref<!tpu.dma_semaphore, #tpu.memory_space<semaphore_mem>>) src(%dma_wait3A_163 : memref<2048xf32, #tpu.memory_space<vmem_shared>>) dst(%dma_wait3A_160 : memref<2048xf32, #tpu.memory_space<vmem>>)
        tpu.yield
      }) : () -> ()
      %add3A_98 = arith.constant 1 : i32
      %add3A_99 = arith.addi %arg1, %add3A_98 : i32
      %run_scoped3A_100 = arith.constant 1 : i32
      "tpu.region"() ({
        %run_scoped3A_139 = tpu.sem_alloc : memref<!tpu.dma_semaphore, #tpu.memory_space<semaphore_mem>>
        %dma_start3A_140 = arith.constant 0 : i32
        %dma_start3A_141 = tpu.memref_slice %arg8[%run_scoped3A_100, %dma_start3A_140] : memref<4x2048xf32, #tpu.memory_space<vmem>> -> memref<1x2048xf32, #tpu.memory_space<vmem>>
        %dma_start3A_142 = tpu.memref_squeeze %dma_start3A_141 : memref<1x2048xf32, #tpu.memory_space<vmem>> -> memref<2048xf32, #tpu.memory_space<vmem>>
        %dma_start3A_143 = arith.constant 0 : i32
        %dma_start3A_144 = tpu.memref_slice %arg10[%add3A_99, %dma_start3A_143] : memref<16x2048xf32, #tpu.memory_space<vmem_shared>> -> memref<1x2048xf32, #tpu.memory_space<vmem_shared>>
        %dma_start3A_145 = tpu.memref_squeeze %dma_start3A_144 : memref<1x2048xf32, #tpu.memory_space<vmem_shared>> -> memref<2048xf32, #tpu.memory_space<vmem_shared>>
        %dma_start3A_146 = arith.constant 0 : i32
        %dma_start3A_147 = tpu.memref_slice %arg8[%run_scoped3A_100, %dma_start3A_146] : memref<4x2048xf32, #tpu.memory_space<vmem>> -> memref<1x2048xf32, #tpu.memory_space<vmem>>
        %dma_start3A_148 = tpu.memref_squeeze %dma_start3A_147 : memref<1x2048xf32, #tpu.memory_space<vmem>> -> memref<2048xf32, #tpu.memory_space<vmem>>
        %dma_start3A_149 = arith.constant 0 : i32
        %dma_start3A_150 = tpu.memref_slice %arg10[%add3A_99, %dma_start3A_149] : memref<16x2048xf32, #tpu.memory_space<vmem_shared>> -> memref<1x2048xf32, #tpu.memory_space<vmem_shared>>
        %dma_start3A_151 = tpu.memref_squeeze %dma_start3A_150 : memref<1x2048xf32, #tpu.memory_space<vmem_shared>> -> memref<2048xf32, #tpu.memory_space<vmem_shared>>
        tpu.enqueue_dma source(%dma_start3A_151 : memref<2048xf32, #tpu.memory_space<vmem_shared>>) target(%dma_start3A_148 : memref<2048xf32, #tpu.memory_space<vmem>>) target_semaphore(%run_scoped3A_139 : memref<!tpu.dma_semaphore, #tpu.memory_space<semaphore_mem>>)
        %dma_wait3A_152 = arith.constant 0 : i32
        %dma_wait3A_153 = tpu.memref_slice %arg8[%run_scoped3A_100, %dma_wait3A_152] : memref<4x2048xf32, #tpu.memory_space<vmem>> -> memref<1x2048xf32, #tpu.memory_space<vmem>>
        %dma_wait3A_154 = tpu.memref_squeeze %dma_wait3A_153 : memref<1x2048xf32, #tpu.memory_space<vmem>> -> memref<2048xf32, #tpu.memory_space<vmem>>
        %dma_wait3A_155 = arith.constant 0 : i32
        %dma_wait3A_156 = tpu.memref_slice %arg10[%add3A_99, %dma_wait3A_155] : memref<16x2048xf32, #tpu.memory_space<vmem_shared>> -> memref<1x2048xf32, #tpu.memory_space<vmem_shared>>
        %dma_wait3A_157 = tpu.memref_squeeze %dma_wait3A_156 : memref<1x2048xf32, #tpu.memory_space<vmem_shared>> -> memref<2048xf32, #tpu.memory_space<vmem_shared>>
        %dma_wait3A_158 = arith.constant 0 : i32
        %dma_wait3A_159 = tpu.memref_slice %arg8[%run_scoped3A_100, %dma_wait3A_158] : memref<4x2048xf32, #tpu.memory_space<vmem>> -> memref<1x2048xf32, #tpu.memory_space<vmem>>
        %dma_wait3A_160 = tpu.memref_squeeze %dma_wait3A_159 : memref<1x2048xf32, #tpu.memory_space<vmem>> -> memref<2048xf32, #tpu.memory_space<vmem>>
        %dma_wait3A_161 = arith.constant 0 : i32
        %dma_wait3A_162 = tpu.memref_slice %arg10[%add3A_99, %dma_wait3A_161] : memref<16x2048xf32, #tpu.memory_space<vmem_shared>> -> memref<1x2048xf32, #tpu.memory_space<vmem_shared>>
        %dma_wait3A_163 = tpu.memref_squeeze %dma_wait3A_162 : memref<1x2048xf32, #tpu.memory_space<vmem_shared>> -> memref<2048xf32, #tpu.memory_space<vmem_shared>>
        tpu.wait_dma2 semaphore(%run_scoped3A_139 : memref<!tpu.dma_semaphore, #tpu.memory_space<semaphore_mem>>) src(%dma_wait3A_163 : memref<2048xf32, #tpu.memory_space<vmem_shared>>) dst(%dma_wait3A_160 : memref<2048xf32, #tpu.memory_space<vmem>>)
        tpu.yield
      }) : () -> ()
      %add3A_101 = arith.constant 2 : i32
      %add3A_102 = arith.addi %arg1, %add3A_101 : i32
      %run_scoped3A_103 = arith.constant 2 : i32
      "tpu.region"() ({
        %run_scoped3A_139 = tpu.sem_alloc : memref<!tpu.dma_semaphore, #tpu.memory_space<semaphore_mem>>
        %dma_start3A_140 = arith.constant 0 : i32
        %dma_start3A_141 = tpu.memref_slice %arg8[%run_scoped3A_103, %dma_start3A_140] : memref<4x2048xf32, #tpu.memory_space<vmem>> -> memref<1x2048xf32, #tpu.memory_space<vmem>>
        %dma_start3A_142 = tpu.memref_squeeze %dma_start3A_141 : memref<1x2048xf32, #tpu.memory_space<vmem>> -> memref<2048xf32, #tpu.memory_space<vmem>>
        %dma_start3A_143 = arith.constant 0 : i32
        %dma_start3A_144 = tpu.memref_slice %arg10[%add3A_102, %dma_start3A_143] : memref<16x2048xf32, #tpu.memory_space<vmem_shared>> -> memref<1x2048xf32, #tpu.memory_space<vmem_shared>>
        %dma_start3A_145 = tpu.memref_squeeze %dma_start3A_144 : memref<1x2048xf32, #tpu.memory_space<vmem_shared>> -> memref<2048xf32, #tpu.memory_space<vmem_shared>>
        %dma_start3A_146 = arith.constant 0 : i32
        %dma_start3A_147 = tpu.memref_slice %arg8[%run_scoped3A_103, %dma_start3A_146] : memref<4x2048xf32, #tpu.memory_space<vmem>> -> memref<1x2048xf32, #tpu.memory_space<vmem>>
        %dma_start3A_148 = tpu.memref_squeeze %dma_start3A_147 : memref<1x2048xf32, #tpu.memory_space<vmem>> -> memref<2048xf32, #tpu.memory_space<vmem>>
        %dma_start3A_149 = arith.constant 0 : i32
        %dma_start3A_150 = tpu.memref_slice %arg10[%add3A_102, %dma_start3A_149] : memref<16x2048xf32, #tpu.memory_space<vmem_shared>> -> memref<1x2048xf32, #tpu.memory_space<vmem_shared>>
        %dma_start3A_151 = tpu.memref_squeeze %dma_start3A_150 : memref<1x2048xf32, #tpu.memory_space<vmem_shared>> -> memref<2048xf32, #tpu.memory_space<vmem_shared>>
        tpu.enqueue_dma source(%dma_start3A_151 : memref<2048xf32, #tpu.memory_space<vmem_shared>>) target(%dma_start3A_148 : memref<2048xf32, #tpu.memory_space<vmem>>) target_semaphore(%run_scoped3A_139 : memref<!tpu.dma_semaphore, #tpu.memory_space<semaphore_mem>>)
        %dma_wait3A_152 = arith.constant 0 : i32
        %dma_wait3A_153 = tpu.memref_slice %arg8[%run_scoped3A_103, %dma_wait3A_152] : memref<4x2048xf32, #tpu.memory_space<vmem>> -> memref<1x2048xf32, #tpu.memory_space<vmem>>
        %dma_wait3A_154 = tpu.memref_squeeze %dma_wait3A_153 : memref<1x2048xf32, #tpu.memory_space<vmem>> -> memref<2048xf32, #tpu.memory_space<vmem>>
        %dma_wait3A_155 = arith.constant 0 : i32
        %dma_wait3A_156 = tpu.memref_slice %arg10[%add3A_102, %dma_wait3A_155] : memref<16x2048xf32, #tpu.memory_space<vmem_shared>> -> memref<1x2048xf32, #tpu.memory_space<vmem_shared>>
        %dma_wait3A_157 = tpu.memref_squeeze %dma_wait3A_156 : memref<1x2048xf32, #tpu.memory_space<vmem_shared>> -> memref<2048xf32, #tpu.memory_space<vmem_shared>>
        %dma_wait3A_158 = arith.constant 0 : i32
        %dma_wait3A_159 = tpu.memref_slice %arg8[%run_scoped3A_103, %dma_wait3A_158] : memref<4x2048xf32, #tpu.memory_space<vmem>> -> memref<1x2048xf32, #tpu.memory_space<vmem>>
        %dma_wait3A_160 = tpu.memref_squeeze %dma_wait3A_159 : memref<1x2048xf32, #tpu.memory_space<vmem>> -> memref<2048xf32, #tpu.memory_space<vmem>>
        %dma_wait3A_161 = arith.constant 0 : i32
        %dma_wait3A_162 = tpu.memref_slice %arg10[%add3A_102, %dma_wait3A_161] : memref<16x2048xf32, #tpu.memory_space<vmem_shared>> -> memref<1x2048xf32, #tpu.memory_space<vmem_shared>>
        %dma_wait3A_163 = tpu.memref_squeeze %dma_wait3A_162 : memref<1x2048xf32, #tpu.memory_space<vmem_shared>> -> memref<2048xf32, #tpu.memory_space<vmem_shared>>
        tpu.wait_dma2 semaphore(%run_scoped3A_139 : memref<!tpu.dma_semaphore, #tpu.memory_space<semaphore_mem>>) src(%dma_wait3A_163 : memref<2048xf32, #tpu.memory_space<vmem_shared>>) dst(%dma_wait3A_160 : memref<2048xf32, #tpu.memory_space<vmem>>)
        tpu.yield
      }) : () -> ()
      %add3A_104 = arith.constant 3 : i32
      %add3A_105 = arith.addi %arg1, %add3A_104 : i32
      %run_scoped3A_106 = arith.constant 3 : i32
      "tpu.region"() ({
        %run_scoped3A_139 = tpu.sem_alloc : memref<!tpu.dma_semaphore, #tpu.memory_space<semaphore_mem>>
        %dma_start3A_140 = arith.constant 0 : i32
        %dma_start3A_141 = tpu.memref_slice %arg8[%run_scoped3A_106, %dma_start3A_140] : memref<4x2048xf32, #tpu.memory_space<vmem>> -> memref<1x2048xf32, #tpu.memory_space<vmem>>
        %dma_start3A_142 = tpu.memref_squeeze %dma_start3A_141 : memref<1x2048xf32, #tpu.memory_space<vmem>> -> memref<2048xf32, #tpu.memory_space<vmem>>
        %dma_start3A_143 = arith.constant 0 : i32
        %dma_start3A_144 = tpu.memref_slice %arg10[%add3A_105, %dma_start3A_143] : memref<16x2048xf32, #tpu.memory_space<vmem_shared>> -> memref<1x2048xf32, #tpu.memory_space<vmem_shared>>
        %dma_start3A_145 = tpu.memref_squeeze %dma_start3A_144 : memref<1x2048xf32, #tpu.memory_space<vmem_shared>> -> memref<2048xf32, #tpu.memory_space<vmem_shared>>
        %dma_start3A_146 = arith.constant 0 : i32
        %dma_start3A_147 = tpu.memref_slice %arg8[%run_scoped3A_106, %dma_start3A_146] : memref<4x2048xf32, #tpu.memory_space<vmem>> -> memref<1x2048xf32, #tpu.memory_space<vmem>>
        %dma_start3A_148 = tpu.memref_squeeze %dma_start3A_147 : memref<1x2048xf32, #tpu.memory_space<vmem>> -> memref<2048xf32, #tpu.memory_space<vmem>>
        %dma_start3A_149 = arith.constant 0 : i32
        %dma_start3A_150 = tpu.memref_slice %arg10[%add3A_105, %dma_start3A_149] : memref<16x2048xf32, #tpu.memory_space<vmem_shared>> -> memref<1x2048xf32, #tpu.memory_space<vmem_shared>>
        %dma_start3A_151 = tpu.memref_squeeze %dma_start3A_150 : memref<1x2048xf32, #tpu.memory_space<vmem_shared>> -> memref<2048xf32, #tpu.memory_space<vmem_shared>>
        tpu.enqueue_dma source(%dma_start3A_151 : memref<2048xf32, #tpu.memory_space<vmem_shared>>) target(%dma_start3A_148 : memref<2048xf32, #tpu.memory_space<vmem>>) target_semaphore(%run_scoped3A_139 : memref<!tpu.dma_semaphore, #tpu.memory_space<semaphore_mem>>)
        %dma_wait3A_152 = arith.constant 0 : i32
        %dma_wait3A_153 = tpu.memref_slice %arg8[%run_scoped3A_106, %dma_wait3A_152] : memref<4x2048xf32, #tpu.memory_space<vmem>> -> memref<1x2048xf32, #tpu.memory_space<vmem>>
        %dma_wait3A_154 = tpu.memref_squeeze %dma_wait3A_153 : memref<1x2048xf32, #tpu.memory_space<vmem>> -> memref<2048xf32, #tpu.memory_space<vmem>>
        %dma_wait3A_155 = arith.constant 0 : i32
        %dma_wait3A_156 = tpu.memref_slice %arg10[%add3A_105, %dma_wait3A_155] : memref<16x2048xf32, #tpu.memory_space<vmem_shared>> -> memref<1x2048xf32, #tpu.memory_space<vmem_shared>>
        %dma_wait3A_157 = tpu.memref_squeeze %dma_wait3A_156 : memref<1x2048xf32, #tpu.memory_space<vmem_shared>> -> memref<2048xf32, #tpu.memory_space<vmem_shared>>
        %dma_wait3A_158 = arith.constant 0 : i32
        %dma_wait3A_159 = tpu.memref_slice %arg8[%run_scoped3A_106, %dma_wait3A_158] : memref<4x2048xf32, #tpu.memory_space<vmem>> -> memref<1x2048xf32, #tpu.memory_space<vmem>>
        %dma_wait3A_160 = tpu.memref_squeeze %dma_wait3A_159 : memref<1x2048xf32, #tpu.memory_space<vmem>> -> memref<2048xf32, #tpu.memory_space<vmem>>
        %dma_wait3A_161 = arith.constant 0 : i32
        %dma_wait3A_162 = tpu.memref_slice %arg10[%add3A_105, %dma_wait3A_161] : memref<16x2048xf32, #tpu.memory_space<vmem_shared>> -> memref<1x2048xf32, #tpu.memory_space<vmem_shared>>
        %dma_wait3A_163 = tpu.memref_squeeze %dma_wait3A_162 : memref<1x2048xf32, #tpu.memory_space<vmem_shared>> -> memref<2048xf32, #tpu.memory_space<vmem_shared>>
        tpu.wait_dma2 semaphore(%run_scoped3A_139 : memref<!tpu.dma_semaphore, #tpu.memory_space<semaphore_mem>>) src(%dma_wait3A_163 : memref<2048xf32, #tpu.memory_space<vmem_shared>>) dst(%dma_wait3A_160 : memref<2048xf32, #tpu.memory_space<vmem>>)
        tpu.yield
      }) : () -> ()
      %scan3A = arith.constant 0 : i32
      %scan3A_107 = arith.constant 64 : i32
      %scan3A_108 = arith.addi %scan3A, %scan3A_107 : i32
      %scan3A_109 = arith.constant 1 : i32
      %scan3A_110 = scf.for %scan3A_139 = %scan3A to %scan3A_108 step %scan3A_109 iter_args(%scan3A_140 = %broadcast_in_dim3A_41) -> (vector<16xf32>)  : i32 {
        %mul3A_141 = arith.constant 16 : i32
        %mul3A_142 = arith.muli %scan3A_139, %mul3A_141 : i32
        %add3A_143 = arith.constant 1024 : i32
        %add3A_144 = arith.addi %add3A_143, %mul3A_142 : i32
        %get3A = arith.constant 0 : i32
        %get3A_145 = arith.index_cast %get3A : i32 to index
        %get3A_146 = arith.index_cast %add3A_144 : i32 to index
        %get3A_147 = tpu.vector_load %arg8[%get3A_145, %get3A_146] {strides = array<i32>} : memref<4x2048xf32, #tpu.memory_space<vmem>>, vector<16xf32>,
        %mul3A_148 = arith.constant 16 : i32
        %mul3A_149 = arith.muli %scan3A_139, %mul3A_148 : i32
        %add3A_150 = arith.constant 1024 : i32
        %add3A_151 = arith.addi %add3A_150, %mul3A_149 : i32
        %get3A_152 = arith.constant 1 : i32
        %get3A_153 = arith.index_cast %get3A_152 : i32 to index
        %get3A_154 = arith.index_cast %add3A_151 : i32 to index
        %get3A_155 = tpu.vector_load %arg8[%get3A_153, %get3A_154] {strides = array<i32>} : memref<4x2048xf32, #tpu.memory_space<vmem>>, vector<16xf32>,
        %add3A_156 = arith.addf %get3A_147, %get3A_155 : vector<16xf32>
        %mul3A_157 = arith.constant 16 : i32
        %mul3A_158 = arith.muli %scan3A_139, %mul3A_157 : i32
        %add3A_159 = arith.constant 1024 : i32
        %add3A_160 = arith.addi %add3A_159, %mul3A_158 : i32
        %get3A_161 = arith.constant 2 : i32
        %get3A_162 = arith.index_cast %get3A_161 : i32 to index
        %get3A_163 = arith.index_cast %add3A_160 : i32 to index
        %get3A_164 = tpu.vector_load %arg8[%get3A_162, %get3A_163] {strides = array<i32>} : memref<4x2048xf32, #tpu.memory_space<vmem>>, vector<16xf32>,
        %add3A_165 = arith.addf %add3A_156, %get3A_164 : vector<16xf32>
        %mul3A_166 = arith.constant 16 : i32
        %mul3A_167 = arith.muli %scan3A_139, %mul3A_166 : i32
        %add3A_168 = arith.constant 1024 : i32
        %add3A_169 = arith.addi %add3A_168, %mul3A_167 : i32
        %get3A_170 = arith.constant 3 : i32
        %get3A_171 = arith.index_cast %get3A_170 : i32 to index
        %get3A_172 = arith.index_cast %add3A_169 : i32 to index
        %get3A_173 = tpu.vector_load %arg8[%get3A_171, %get3A_172] {strides = array<i32>} : memref<4x2048xf32, #tpu.memory_space<vmem>>, vector<16xf32>,
        %add3A_174 = arith.addf %add3A_165, %get3A_173 : vector<16xf32>
        %add3A_175 = arith.addf %scan3A_140, %add3A_174 : vector<16xf32>
        scf.yield %add3A_175 : vector<16xf32>
      }
      %scan3A_111 = arith.constant 64 : i32
      %reduce_sum3A = arith.constant true
      %reduce_sum3A_112 = vector.broadcast %reduce_sum3A : i1 to vector<16xi1>
      %reduce_sum3A_113 = tpu.scan <sum>, %scan3A_110 masked %reduce_sum3A_112 : vector<16xf32>, vector<16xi1> -> vector<16xf32>
      %reduce_sum3A_114 = vector.extract %reduce_sum3A_113[15] : f32 from vector<16xf32>
      %scan3A_115 = arith.constant 0.000000e+00 : f32
      %scan3A_116 = arith.constant 0.000000e+00 : f32
      %scan3A_117 = arith.constant 0 : i32
      %scan3A_118 = arith.constant 64 : i32
      %scan3A_119 = arith.addi %scan3A_117, %scan3A_118 : i32
      %scan3A_120 = arith.constant 1 : i32
      %scan3A_121:3 = scf.for %scan3A_139 = %scan3A_117 to %scan3A_119 step %scan3A_120 iter_args(%scan3A_140 = %scan3A_115, %scan3A_141 = %scan3A_116, %scan3A_142 = %broadcast_in_dim3A_41) -> (f32, f32, vector<16xf32>)  : i32 {
        %mul3A_143 = arith.constant 16 : i32
        %mul3A_144 = arith.muli %scan3A_139, %mul3A_143 : i32
        %get3A = arith.constant 0 : i32
        %get3A_145 = arith.index_cast %get3A : i32 to index
        %get3A_146 = arith.index_cast %mul3A_144 : i32 to index
        %get3A_147 = tpu.vector_load %arg8[%get3A_145, %get3A_146] {strides = array<i32>} : memref<4x2048xf32, #tpu.memory_space<vmem>>, vector<16xf32>,
        %mul3A_148 = arith.constant 16 : i32
        %mul3A_149 = arith.muli %scan3A_139, %mul3A_148 : i32
        %add3A_150 = arith.constant 1024 : i32
        %add3A_151 = arith.addi %add3A_150, %mul3A_149 : i32
        %get3A_152 = arith.constant 0 : i32
        %get3A_153 = arith.index_cast %get3A_152 : i32 to index
        %get3A_154 = arith.index_cast %add3A_151 : i32 to index
        %get3A_155 = tpu.vector_load %arg8[%get3A_153, %get3A_154] {strides = array<i32>} : memref<4x2048xf32, #tpu.memory_space<vmem>>, vector<16xf32>,
        %mul3A_156 = arith.constant 16 : i32
        %mul3A_157 = arith.muli %scan3A_139, %mul3A_156 : i32
        %get3A_158 = arith.constant 1 : i32
        %get3A_159 = arith.index_cast %get3A_158 : i32 to index
        %get3A_160 = arith.index_cast %mul3A_157 : i32 to index
        %get3A_161 = tpu.vector_load %arg8[%get3A_159, %get3A_160] {strides = array<i32>} : memref<4x2048xf32, #tpu.memory_space<vmem>>, vector<16xf32>,
        %add3A_162 = arith.addf %get3A_147, %get3A_161 : vector<16xf32>
        %mul3A_163 = arith.constant 16 : i32
        %mul3A_164 = arith.muli %scan3A_139, %mul3A_163 : i32
        %add3A_165 = arith.constant 1024 : i32
        %add3A_166 = arith.addi %add3A_165, %mul3A_164 : i32
        %get3A_167 = arith.constant 1 : i32
        %get3A_168 = arith.index_cast %get3A_167 : i32 to index
        %get3A_169 = arith.index_cast %add3A_166 : i32 to index
        %get3A_170 = tpu.vector_load %arg8[%get3A_168, %get3A_169] {strides = array<i32>} : memref<4x2048xf32, #tpu.memory_space<vmem>>, vector<16xf32>,
        %add3A_171 = arith.addf %get3A_155, %get3A_170 : vector<16xf32>
        %mul3A_172 = arith.constant 16 : i32
        %mul3A_173 = arith.muli %scan3A_139, %mul3A_172 : i32
        %get3A_174 = arith.constant 2 : i32
        %get3A_175 = arith.index_cast %get3A_174 : i32 to index
        %get3A_176 = arith.index_cast %mul3A_173 : i32 to index
        %get3A_177 = tpu.vector_load %arg8[%get3A_175, %get3A_176] {strides = array<i32>} : memref<4x2048xf32, #tpu.memory_space<vmem>>, vector<16xf32>,
        %add3A_178 = arith.addf %add3A_162, %get3A_177 : vector<16xf32>
        %mul3A_179 = arith.constant 16 : i32
        %mul3A_180 = arith.muli %scan3A_139, %mul3A_179 : i32
        %add3A_181 = arith.constant 1024 : i32
        %add3A_182 = arith.addi %add3A_181, %mul3A_180 : i32
        %get3A_183 = arith.constant 2 : i32
        %get3A_184 = arith.index_cast %get3A_183 : i32 to index
        %get3A_185 = arith.index_cast %add3A_182 : i32 to index
        %get3A_186 = tpu.vector_load %arg8[%get3A_184, %get3A_185] {strides = array<i32>} : memref<4x2048xf32, #tpu.memory_space<vmem>>, vector<16xf32>,
        %add3A_187 = arith.addf %add3A_171, %get3A_186 : vector<16xf32>
        %mul3A_188 = arith.constant 16 : i32
        %mul3A_189 = arith.muli %scan3A_139, %mul3A_188 : i32
        %get3A_190 = arith.constant 3 : i32
        %get3A_191 = arith.index_cast %get3A_190 : i32 to index
        %get3A_192 = arith.index_cast %mul3A_189 : i32 to index
        %get3A_193 = tpu.vector_load %arg8[%get3A_191, %get3A_192] {strides = array<i32>} : memref<4x2048xf32, #tpu.memory_space<vmem>>, vector<16xf32>,
        %add3A_194 = arith.addf %add3A_178, %get3A_193 : vector<16xf32>
        %mul3A_195 = arith.constant 16 : i32
        %mul3A_196 = arith.muli %scan3A_139, %mul3A_195 : i32
        %add3A_197 = arith.constant 1024 : i32
        %add3A_198 = arith.addi %add3A_197, %mul3A_196 : i32
        %get3A_199 = arith.constant 3 : i32
        %get3A_200 = arith.index_cast %get3A_199 : i32 to index
        %get3A_201 = arith.index_cast %add3A_198 : i32 to index
        %get3A_202 = tpu.vector_load %arg8[%get3A_200, %get3A_201] {strides = array<i32>} : memref<4x2048xf32, #tpu.memory_space<vmem>>, vector<16xf32>,
        %add3A_203 = arith.addf %add3A_187, %get3A_202 : vector<16xf32>
        %add3A_204 = arith.addf %add3A_194, %add3A_203 : vector<16xf32>
        %broadcast_in_dim3A_205 = arith.constant true
        %broadcast_in_dim3A_206 = vector.broadcast %broadcast_in_dim3A_205 : i1 to vector<16xi1>
        %masked_cumsum3A = tpu.scan <sum>, %add3A_204 masked %broadcast_in_dim3A_206 : vector<16xf32>, vector<16xi1> -> vector<16xf32>
        %add3A_207 = vector.broadcast %scan3A_140 : f32 to vector<16xf32>
        %add3A_208 = arith.addf %masked_cumsum3A, %add3A_207 : vector<16xf32>
        %broadcast_in_dim3A_209 = arith.constant true
        %broadcast_in_dim3A_210 = vector.broadcast %broadcast_in_dim3A_209 : i1 to vector<16xi1>
        %masked_cumsum3A_211 = tpu.scan <sum>, %add3A_194 masked %broadcast_in_dim3A_210 : vector<16xf32>, vector<16xi1> -> vector<16xf32>
        %add3A_212 = vector.broadcast %scan3A_141 : f32 to vector<16xf32>
        %add3A_213 = arith.addf %masked_cumsum3A_211, %add3A_212 : vector<16xf32>
        %add3A_214 = vector.broadcast %reduce_sum3A_114 : f32 to vector<16xf32>
        %add3A_215 = arith.addf %add3A_214, %add3A_213 : vector<16xf32>
        %div3A_216 = arith.divf %add3A_208, %add3A_215 : vector<16xf32>
        %add3A_217 = arith.addf %scan3A_142, %div3A_216 : vector<16xf32>
        %reduce_sum3A_218 = arith.constant true
        %reduce_sum3A_219 = vector.broadcast %reduce_sum3A_218 : i1 to vector<16xi1>
        %reduce_sum3A_220 = tpu.scan <sum>, %add3A_204 masked %reduce_sum3A_219 : vector<16xf32>, vector<16xi1> -> vector<16xf32>
        %reduce_sum3A_221 = vector.extract %reduce_sum3A_220[15] : f32 from vector<16xf32>
        %add3A_222 = arith.addf %scan3A_140, %reduce_sum3A_221 : f32
        %reduce_sum3A_223 = arith.constant true
        %reduce_sum3A_224 = vector.broadcast %reduce_sum3A_223 : i1 to vector<16xi1>
        %reduce_sum3A_225 = tpu.scan <sum>, %add3A_194 masked %reduce_sum3A_224 : vector<16xf32>, vector<16xi1> -> vector<16xf32>
        %reduce_sum3A_226 = vector.extract %reduce_sum3A_225[15] : f32 from vector<16xf32>
        %add3A_227 = arith.addf %scan3A_141, %reduce_sum3A_226 : f32
        scf.yield %add3A_222, %add3A_227, %add3A_217 : f32, f32, vector<16xf32>
      }
      %scan3A_122 = arith.constant 64 : i32
      %reduce_sum3A_123 = arith.constant true
      %reduce_sum3A_124 = vector.broadcast %reduce_sum3A_123 : i1 to vector<16xi1>
      %reduce_sum3A_125 = tpu.scan <sum>, %scan3A_121#2 masked %reduce_sum3A_124 : vector<16xf32>, vector<16xi1> -> vector<16xf32>
      %reduce_sum3A_126 = vector.extract %reduce_sum3A_125[15] : f32 from vector<16xf32>
      %mul3A_127 = arith.constant 9.765625E-4 : f32
      %mul3A_128 = arith.mulf %mul3A_127, %reduce_sum3A_126 : f32
      %sub3A_129 = arith.constant 4.8828125E-4 : f32
      %sub3A_130 = arith.subf %mul3A_128, %sub3A_129 : f32
      %eq3A_131 = arith.constant 0 : i32
      %eq3A_132 = vector.broadcast %eq3A_131 : i32 to vector<16xi32>
      %eq3A_133 = arith.cmpi eq, %iota3A, %eq3A_132 : vector<16xi32>
      %jit3A_134 = arith.constant 0.000000e+00 : f32
      %broadcast_in_dim3A_135 = vector.broadcast %sub3A_130 : f32 to vector<16xf32>
      %broadcast_in_dim3A_136 = vector.broadcast %jit3A_134 : f32 to vector<16xf32>
      %select_n3A_137 = arith.select %eq3A_133, %broadcast_in_dim3A_135, %broadcast_in_dim3A_136 : vector<16xi1>, vector<16xf32>
      %swap3A = arith.constant 0 : index
      %swap3A_138 = tpu.vector_load %arg9[%swap3A] {strides = array<i32>} : memref<16xf32, #tpu.memory_space<vmem>>, vector<16xf32>,
      tpu.vector_store %arg9[%swap3A], %select_n3A_137 {strides = array<i32>} : memref<16xf32, #tpu.memory_space<vmem>>, vector<16xf32>,
      "tpu.region"() ({
        %run_scoped3A_139 = tpu.sem_alloc : memref<!tpu.dma_semaphore, #tpu.memory_space<semaphore_mem>>
        %dma_start3A_140 = arith.constant 0 : i32
        %dma_start3A_141 = tpu.memref_slice %arg3[%add3A, %dma_start3A_140] : memref<8x16xf32, #tpu.memory_space<hbm>> -> memref<1x16xf32, #tpu.memory_space<hbm>>
        %dma_start3A_142 = tpu.memref_squeeze %dma_start3A_141 : memref<1x16xf32, #tpu.memory_space<hbm>> -> memref<16xf32, #tpu.memory_space<hbm>>
        %dma_start3A_143 = arith.constant 0 : i32
        %dma_start3A_144 = tpu.memref_slice %arg3[%add3A, %dma_start3A_143] : memref<8x16xf32, #tpu.memory_space<hbm>> -> memref<1x16xf32, #tpu.memory_space<hbm>>
        %dma_start3A_145 = tpu.memref_squeeze %dma_start3A_144 : memref<1x16xf32, #tpu.memory_space<hbm>> -> memref<16xf32, #tpu.memory_space<hbm>>
        tpu.enqueue_dma source(%arg9 : memref<16xf32, #tpu.memory_space<vmem>>) target(%dma_start3A_145 : memref<16xf32, #tpu.memory_space<hbm>>) target_semaphore(%run_scoped3A_139 : memref<!tpu.dma_semaphore, #tpu.memory_space<semaphore_mem>>)
        %dma_wait3A_146 = arith.constant 0 : i32
        %dma_wait3A_147 = tpu.memref_slice %arg3[%add3A, %dma_wait3A_146] : memref<8x16xf32, #tpu.memory_space<hbm>> -> memref<1x16xf32, #tpu.memory_space<hbm>>
        %dma_wait3A_148 = tpu.memref_squeeze %dma_wait3A_147 : memref<1x16xf32, #tpu.memory_space<hbm>> -> memref<16xf32, #tpu.memory_space<hbm>>
        %dma_wait3A_149 = arith.constant 0 : i32
        %dma_wait3A_150 = tpu.memref_slice %arg3[%add3A, %dma_wait3A_149] : memref<8x16xf32, #tpu.memory_space<hbm>> -> memref<1x16xf32, #tpu.memory_space<hbm>>
        %dma_wait3A_151 = tpu.memref_squeeze %dma_wait3A_150 : memref<1x16xf32, #tpu.memory_space<hbm>> -> memref<16xf32, #tpu.memory_space<hbm>>
        tpu.wait_dma2 semaphore(%run_scoped3A_139 : memref<!tpu.dma_semaphore, #tpu.memory_space<semaphore_mem>>) src(%arg9 : memref<16xf32, #tpu.memory_space<vmem>>) dst(%dma_wait3A_151 : memref<16xf32, #tpu.memory_space<hbm>>)
        tpu.yield
      }) : () -> ()
    } else {
    }
    return
  }
}

module attributes {stable_mosaic.version = 14 : i64} {
  func.func @_mean_body(%arg0: memref<8x16xf32, #tpu.memory_space<vmem>>, %arg1: memref<1x1xf32, #tpu.memory_space<vmem>>) attributes {dimension_semantics = [], scalar_prefetch = 0 : i64, scratch_operands = 0 : i64, tpu.core_type = #tpu.core_type<tc>} {
    %get3A = arith.constant 0 : index
    %get3A_0 = arith.constant 0 : index
    %get3A_1 = vector.load %arg0[%get3A, %get3A_0] : memref<8x16xf32, #tpu.memory_space<vmem>>, vector<8x16xf32>
    %reduce_sum3A = vector.shape_cast %get3A_1 : vector<8x16xf32> to vector<1x8x16xf32>
    %reduce_sum3A_2 = arith.constant dense<0.000000e+00> : vector<1xf32>
    %reduce_sum3A_3 = vector.multi_reduction <add>, %reduce_sum3A, %reduce_sum3A_2 [1, 2] : vector<1x8x16xf32> to vector<1xf32>
    %reduce_sum3A_4 = vector.shape_cast %reduce_sum3A_3 : vector<1xf32> to vector<1x1x1xf32>
    %reduce_sum3A_5 = vector.extract %reduce_sum3A_4[0, 0, 0] : f32 from vector<1x1x1xf32>
    %broadcast_in_dim3A = vector.broadcast %reduce_sum3A_5 : f32 to vector<1x1xf32>
    %mul3A = arith.constant 1.250000e-01 : f32
    %mul3A_6 = vector.broadcast %mul3A : f32 to vector<1x1xf32>
    %mul3A_7 = arith.mulf %broadcast_in_dim3A, %mul3A_6 : vector<1x1xf32>
    %swap3A = arith.constant 0 : index
    %swap3A_8 = arith.constant 0 : index
    %swap3A_9 = vector.load %arg1[%swap3A, %swap3A_8] : memref<1x1xf32, #tpu.memory_space<vmem>>, vector<1x1xf32>
    tpu.vector_store %arg1[%swap3A, %swap3A_8], %mul3A_7 {strides = array<i32>} : memref<1x1xf32, #tpu.memory_space<vmem>>, vector<1x1xf32>,
    return
  }
}

module attributes {stable_mosaic.version = 14 : i64} {
  func.func @_pack_body(%arg0: i32, %arg1: memref<4x512x512xf32, #tpu.memory_space<vmem>>, %arg2: memref<4x512x512xi32, #tpu.memory_space<vmem>>, %arg3: memref<4x256x512xi32, #tpu.memory_space<vmem>>) attributes {dimension_semantics = [#tpu.dimension_semantics<arbitrary>], iteration_bounds = array<i64: 2>, scalar_prefetch = 0 : i64, scratch_operands = 0 : i64, tpu.core_type = #tpu.core_type<tc>, window_params = [{transform_indices = @transform_0, window_bounds = array<i64: 4, 512, 512>}, {transform_indices = @transform_1, window_bounds = array<i64: 4, 512, 512>}, {transform_indices = @transform_2, window_bounds = array<i64: 4, 256, 512>}]} {
    %get3A = arith.constant 0 : index
    %get3A_0 = arith.constant 0 : index
    %get3A_1 = arith.constant 0 : index
    %get3A_2 = vector.load %arg1[%get3A, %get3A_0, %get3A_1] : memref<4x512x512xf32, #tpu.memory_space<vmem>>, vector<4x512x512xf32>
    %get3A_3 = arith.constant 0 : index
    %get3A_4 = arith.constant 0 : index
    %get3A_5 = arith.constant 0 : index
    %get3A_6 = vector.load %arg2[%get3A_3, %get3A_4, %get3A_5] : memref<4x512x512xi32, #tpu.memory_space<vmem>>, vector<4x512x512xi32>
    %convert_element_type3A = arith.sitofp %get3A_6 : vector<4x512x512xi32> to vector<4x512x512xf32>
    %sub3A = arith.subf %convert_element_type3A, %get3A_2 : vector<4x512x512xf32>
    %abs3A = math.absf %sub3A : vector<4x512x512xf32>
    %mul3A = arith.constant 1.024000e+03 : f32
    %mul3A_7 = vector.broadcast %mul3A : f32 to vector<4x512x512xf32>
    %mul3A_8 = arith.mulf %abs3A, %mul3A_7 : vector<4x512x512xf32>
    %convert_element_type3A_9 = arith.fptosi %mul3A_8 : vector<4x512x512xf32> to vector<4x512x512xi32>
    %min3A = arith.constant 1023 : i32
    %min3A_10 = vector.broadcast %min3A : i32 to vector<4x512x512xi32>
    %min3A_11 = arith.minsi %convert_element_type3A_9, %min3A_10 : vector<4x512x512xi32>
    %mul3A_12 = arith.constant 1024 : i32
    %mul3A_13 = vector.broadcast %mul3A_12 : i32 to vector<4x512x512xi32>
    %mul3A_14 = arith.muli %get3A_6, %mul3A_13 : vector<4x512x512xi32>
    %sub3A_15 = arith.constant 1023 : i32
    %sub3A_16 = vector.broadcast %sub3A_15 : i32 to vector<4x512x512xi32>
    %sub3A_17 = arith.subi %sub3A_16, %min3A_11 : vector<4x512x512xi32>
    %add3A = arith.addi %mul3A_14, %sub3A_17 : vector<4x512x512xi32>
    %slice3A = vector.extract_strided_slice %add3A {offsets = [0, 0, 0], sizes = [4, 256, 512], strides = [1, 1, 1]} : vector<4x512x512xi32> to vector<4x256x512xi32>
    %slice3A_18 = vector.extract_strided_slice %add3A {offsets = [0, 256, 0], sizes = [4, 256, 512], strides = [1, 1, 1]} : vector<4x512x512xi32> to vector<4x256x512xi32>
    %shift_left3A = arith.constant 16 : i32
    %shift_left3A_19 = vector.broadcast %shift_left3A : i32 to vector<4x256x512xi32>
    %shift_left3A_20 = arith.shli %slice3A_18, %shift_left3A_19 : vector<4x256x512xi32>
    %or3A = arith.ori %slice3A, %shift_left3A_20 : vector<4x256x512xi32>
    %swap3A = arith.constant 0 : index
    %swap3A_21 = arith.constant 0 : index
    %swap3A_22 = arith.constant 0 : index
    %swap3A_23 = vector.load %arg3[%swap3A, %swap3A_21, %swap3A_22] : memref<4x256x512xi32, #tpu.memory_space<vmem>>, vector<4x256x512xi32>
    tpu.vector_store %arg3[%swap3A, %swap3A_21, %swap3A_22], %or3A {strides = array<i32>} : memref<4x256x512xi32, #tpu.memory_space<vmem>>, vector<4x256x512xi32>,
    return
  }
  func.func @transform_0(%arg0: i32) -> (i32, i32, i32) {
    %c0_i32 = arith.constant 0 : i32
    %c0_i32_0 = arith.constant 0 : i32
    %c0_i32_1 = arith.constant 0 : i32
    return %arg0, %c0_i32, %c0_i32_0 : i32, i32, i32
  }
  func.func @transform_1(%arg0: i32) -> (i32, i32, i32) {
    %c0_i32 = arith.constant 0 : i32
    %c0_i32_0 = arith.constant 0 : i32
    %c0_i32_1 = arith.constant 0 : i32
    return %arg0, %c0_i32, %c0_i32_0 : i32, i32, i32
  }
  func.func @transform_2(%arg0: i32) -> (i32, i32, i32) {
    %c0_i32 = arith.constant 0 : i32
    %c0_i32_0 = arith.constant 0 : i32
    %c0_i32_1 = arith.constant 0 : i32
    return %arg0, %c0_i32, %c0_i32_0 : i32, i32, i32
  }
}

</mosaic_0001>

<sc_bundles>
// kernel: kernel.5.cloned.1.call-start
scs
__scs_entry_jumppad:
0x0: {  	(pc) =	sbr.rel $0x88, $3  }
0x1: {  	(tag) =	ssettag $0x0;
	lr =	simm.s32 $0x1  }
0x2: {  	[smem:$0x3F9F] =	sst lr;
	_ =	strace $0xD0000000  }
0x3: {  	_ = 	snop  }
0x4: {  	_ = 	snop  }
0x5: {  	_ = 	snop  }
0x6: {  	_ = 	snop  }
0x7: {  	_ = 	snop  }
__scs_overlays_trampoline_lowered:
0x8: {  	[smem:$0x3FAE] =	sst s0  }
0x9: {  	[smem:$0x3FAF] =	sst s1  }
0xa: {  	[smem:$0x3FB0] =	sst s2  }
0xb: {  	[smem:$0x3FB1] =	sst s3  }
0xc: {  	[smem:$0x3FB2] =	sst s4  }
0xd: {  	[smem:$0x3FB3] =	sst s5  }
0xe: {  	[smem:$0x3FB4] =	sst s6  }
0xf: {  	[smem:$0x3FB5] =	sst s7  }
0x10: {  	[smem:$0x3FB6] =	sst s8  }
0x11: {  	[smem:$0x3FB7] =	sst s9;
	s0 =	simm.s32 @!p0 $0x0  }
0x12: {  	s1 =	sld [smem:$0x3F9D];
	s0 =	simm.s32 @p0 $0x1  }
0x13: {  	[smem:$0x3FB8] =	sst s0;
	s0 =	simm.s32 @!p1 $0x0  }
0x14: {  	s2 =	sld [smem:$0x3F9C];
	s0 =	simm.s32 @p1 $0x1  }
0x15: {  	[smem:$0x3FB9] =	sst s0;
	s0 =	simm.s32 @!p2 $0x0  }
0x16: {  	s3 =	sld [smem:$0x3FDB];
	s0 =	simm.s32 @p2 $0x1  }
0x17: {  	s4 =	simm.s32 $0x1BF5;
	[smem:$0x3FBB] =	sst s0  }
0x18: {  	s0 =	sld [smem:$0x3F9E];
	_ =	swait.ge [sflag:s4], $0x0  }
0x19: {  	s7 =	sld [smem:$0x3F9F]  }
0x1a: {  	s8 =	sadd.s32 $0xFFFFE003, lr  }
0x1b: {  	s9 =	sadd.s32 $0xFFFFFEF7, lr;
	s5 =	simm.s32 $0xFFFFFFFF;
	p2 =	slt.u32 s8, $0xFFFFF086  }
0x1c: {  	p1 =	slt.u32 s9, $0xF7A;
	s5 =	simm.s32 @!p2 $0x0  }
0x1d: {  	s5 =	simm.s32 @p1 $0x1;
	p0 =	seq.s32 s7, s2  }
0x1e: {  	s7 =	smul.u32 @!p0 $0xF7A, s2;
	p2 =	seq.s32 @!p0 s5, $0x0  }
0x1f: {  	s9 =	smul.u32 $0xF7A, s1;
	s8 =	simm.s32 @!p0 $0x1BF5;
	p2 =	por !p2, p0  }
0x20: {  	[sflag:s8] =	ssyncset.s32 @!p0 $0xFFFFF086;
	s6 =	sadd.s32 @!p0 s3, s7;
	s7 =	simm.s32 @!p0 $0x108  }
0x21: {  	s3 =	sadd.s32 s3, s9;
	s6 =	sadd.s32 @!p0 $0x88, s6;
	s7 =	simm.s32 @p2 $0x1082  }
0x22: {  	[simem:s7], [sflag:s8] =	dma.local @!p0 [hbm:s6], $0xF7A  }
0x23: {  	s9 =	sor.u32 $0xD0000000, s2;
	s6 =	simm.s32 $0x108;
	_ =	swait.ge @!p0 [sflag:s8], $0x0  }
0x24: {  	s3 =	sadd.s32 $0x88, s3;
	s6 =	simm.s32 @!p1 $0x1082;
	[sflag:s4] =	ssyncset.s32 $0xFFFFF086  }
0x25: {  	[simem:s6], [sflag:s4] =	dma.local [hbm:s3], $0xF7A  }
0x26: {  	[smem:$0x3F9F] =	sst s1;
	(tag) =	ssettag s2;
	_ =	strace s9  }
0x27: {  	s1 =	sld [smem:$0x3FAF]  }
0x28: {  	s2 =	sld [smem:$0x3FB0]  }
0x29: {  	s4 =	sld [smem:$0x3FB2]  }
0x2a: {  	p0 =	seq.s32 s5, $0x0;
	s5 =	sld [smem:$0x3FB3]  }
0x2b: {  	s6 =	sld [smem:$0x3FB4]  }
0x2c: {  	s7 =	sld [smem:$0x3FB5]  }
0x2d: {  	s3 =	simm.s32 $0x108;
	s8 =	sld [smem:$0x3FB6]  }
0x2e: {  	s3 =	simm.s32 @!p0 $0x1082;
	s9 =	sld [smem:$0x3FB7]  }
0x2f: {  	lr =	sadd.s32 s0, s3;
	s0 =	sld [smem:$0x3FAE]  }
0x30: {  	s3 =	sld [smem:$0x3FB1]  }
0x31: {  	[smem:$0x3FBA] =	sst s10  }
0x32: {  	s10 =	sld [smem:$0x3FB8];
	_ =	sdelay $0x3  }
0x33: {  	p0 =	seq.s32 s10, $0x1;
	s10 =	sld [smem:$0x3FBA];
	_ =	sdelay $0x3  }
0x34: {  	[smem:$0x3FBA] =	sst s10  }
0x35: {  	s10 =	sld [smem:$0x3FB9];
	_ =	sdelay $0x3  }
0x36: {  	p1 =	seq.s32 s10, $0x1;
	s10 =	sld [smem:$0x3FBA];
	_ =	sdelay $0x3  }
0x37: {  	[smem:$0x3FBA] =	sst s10  }
0x38: {  	s10 =	sld [smem:$0x3FBB]  }
0x39: {  	_ = 	snop;
	(pc) =	sbr.ind lr, $3  }
0x3a: {  	_ = 	snop  }
0x3b: {  	_ = 	snop  }
0x3c: {  	p2 =	seq.s32 s10, $0x1;
	s10 =	sld [smem:$0x3FBA]  }
0x3d: {  	_ =	shalt  }
0x3e: {  	_ =	shalt  }
0x3f: {  	_ =	shalt  }
0x40: {  	_ =	shalt  }
0x41: {  	_ =	shalt  }
0x42: {  	_ =	shalt  }
0x43: {  	_ =	shalt  }
0x44: {  	_ =	shalt  }
0x45: {  	_ =	shalt  }
0x46: {  	_ =	shalt  }
0x47: {  	_ =	shalt  }
0x48: {  	_ =	shalt  }
0x49: {  	_ =	shalt  }
0x4a: {  	_ =	shalt  }
0x4b: {  	_ =	shalt  }
0x4c: {  	_ =	shalt  }
0x4d: {  	_ =	shalt  }
0x4e: {  	_ =	shalt  }
0x4f: {  	_ =	shalt  }
0x50: {  	_ =	shalt  }
0x51: {  	_ =	shalt  }
0x52: {  	_ =	shalt  }
0x53: {  	_ =	shalt  }
0x54: {  	_ =	shalt  }
0x55: {  	_ =	shalt  }
0x56: {  	_ =	shalt  }
0x57: {  	_ =	shalt  }
0x58: {  	_ =	shalt  }
0x59: {  	_ =	shalt  }
0x5a: {  	_ =	shalt  }
0x5b: {  	_ =	shalt  }
0x5c: {  	_ =	shalt  }
0x5d: {  	_ =	shalt  }
0x5e: {  	_ =	shalt  }
0x5f: {  	_ =	shalt  }
0x60: {  	_ =	shalt  }
0x61: {  	_ =	shalt  }
0x62: {  	_ =	shalt  }
0x63: {  	_ =	shalt  }
0x64: {  	_ =	shalt  }
0x65: {  	_ =	shalt  }
0x66: {  	_ =	shalt  }
0x67: {  	_ =	shalt  }
0x68: {  	_ =	shalt  }
0x69: {  	_ =	shalt  }
0x6a: {  	_ =	shalt  }
0x6b: {  	_ =	shalt  }
0x6c: {  	_ =	shalt  }
0x6d: {  	_ =	shalt  }
0x6e: {  	_ =	shalt  }
0x6f: {  	_ =	shalt  }
0x70: {  	_ =	shalt  }
0x71: {  	_ =	shalt  }
0x72: {  	_ =	shalt  }
0x73: {  	_ =	shalt  }
0x74: {  	_ =	shalt  }
0x75: {  	_ =	shalt  }
0x76: {  	_ =	shalt  }
0x77: {  	_ =	shalt  }
0x78: {  	_ =	shalt  }
0x79: {  	_ =	shalt  }
0x7a: {  	_ =	shalt  }
0x7b: {  	_ =	shalt  }
0x7c: {  	_ =	shalt  }
0x7d: {  	_ =	shalt  }
0x7e: {  	_ =	shalt  }
0x7f: {  	_ =	shalt  }
0x80: {  	_ =	shalt  }
0x81: {  	_ =	shalt  }
0x82: {  	_ =	shalt  }
0x83: {  	_ =	shalt  }
0x84: {  	_ =	shalt  }
0x85: {  	_ =	shalt  }
0x86: {  	_ =	shalt  }
0x87: {  	_ =	shalt  }
.Lfunc_end0:
.L_simem_size_0:
called_computation_lowered:
.L_overlay_start_0:
0x88: {  	s2 =	sld [smem:$0x3FD9]  }
0x89: {  	s3 =	sld [smem:$0x3FFE];
	_ =	sdelay $0x1  }
0x8a: {  	s1 =	srdreg.scid  }
0x8b: {  	s0 =	sand.u32 $0x1, s1  }
0x8c: {  	s16 =	sshll.u32 s0, $0xA;
	s2 =	sadd.s32 s3, s2  }
0x8d: {  	s2 =	sadd.s32 s2, s16  }
0x8e: {  	[smem:$0x3FC6] =	sst s2  }
0x8f: {  	_ = 	snop  }
0x90: {  	(tm) =	ssettm $0x1  }
0x91: {  	s17 =	sld [smem:$0x3FFB];
	_ =	sdelay $0x3  }
0x92: {  	_ =	strace s17  }
0x93: {  	s2 =	sld [smem:$0x3FFC];
	_ =	sdelay $0x3  }
0x94: {  	_ =	strace s2  }
0x95: {  	s2 =	sld [smem:$0x3FFD];
	_ =	sdelay $0x3  }
0x96: {  	_ =	strace s2  }
0x97: {  	_ =	strace $0x8FFFFFFF  }
0x98: {  	s18 =	sld [smem:$0x3FDB];
	_ =	sdelay $0x1  }
0x99: {  	s19 =	simm.s32 $_scs_section_size  }
0x9a: {  	s4 =	simm.s32 $_size__tile_overlayer_lowered;
	s5 =	simm.s32 $_tile_overlayer_lowered  }
0x9b: {  	s22 =	simm.s32 $0x1BFF;
	s21 =	sshll.u32 s5, $0x1;
	s2 =	sadd.s32 s19, s18  }
0x9c: {  	s6 =	simm.s32 $0x0;
	s20 =	sshll.u32 s4, $0x1;
	s4 =	sadd.s32 s21, s2  }
0x9d: {  	[timem:s6], [sflag:s22] =	dma.local [hbm:s4], s20  }
0x9e: {  	_ =	swait.ge [sflag:s22], s20  }
0x9f: {  	s3 =	ssub.s32 $0x0, s20;
	[sflag:s22] =	ssyncset.done $0x0  }
0xa0: {  	[sflag:s22] =	ssyncadd.s32 s3;
	_ =	sdelay $0x1  }
0xa1: {  	s23 =	simm.s32 $0x1B8B  }
0xa2: {  	_ =	swait.ge [sflag:s23], $0x1  }
0xa3: {  	[sflag:s23] =	ssyncset.done $0x0  }
0xa4: {  	s25 =	simm.s32 $0x1B8E;
	s24 =	sld [smem:$0x3FFE];
	[sflag:s23] =	ssyncadd.s32 $0xFFFFFFFF  }
0xa5: {  	s26 =	simm.s32 $execute0_lowered;
	[smem:$0x3FD2] =	sst s25  }
0xa6: {  	s4 =	sshll.u32 s26, $0x1;
	_ =	strace $0x80000046;
	[dreg:$0x1] =	wrdreg $0xFFFFFFFF  }
0xa7: {  	s28 =	simm.s32 $_size_execute0_lowered;
	s2 =	sadd.s32 s2, s4;
	[dreg:$0x0] =	wrdreg $0x0  }
0xa8: {  	s4 =	sshll.u32 s28, $0x1;
	[dreg:$0x2] =	wrdreg s2  }
0xa9: {  	[dreg:$0x3] =	wrdreg s4  }
0xaa: {  	[dreg:$0x4] =	wrdreg $0xC0  }
0xab: {  	_ =	task [dreg:s6], $0x5FFFF  }
0xac: {  	[dreg:$0x1] =	wrdreg $0xFFFFFFFF  }
0xad: {  	[dreg:$0x0] =	wrdreg $0x60  }
0xae: {  	[dreg:$0x2] =	wrdreg s24  }
0xaf: {  	[dreg:$0x3] =	wrdreg $0x1A8800  }
0xb0: {  	[dreg:$0x4] =	wrdreg $0x9  }
0xb1: {  	_ =	task.clear_ibuf [dreg:s6], $0x5FFFF;
	_ =	strace $0x90000046  }
0xb2: {  	s29 =	simm.s32 $0x9;
	_ =	strace $0x80000048  }
0xb3: {  	_ =	swait.ge [sflag:s29], $0x1  }
0xb4: {  	[sflag:s29] =	ssyncadd.s32 $0xFFFFFFFF  }
0xb5: {  	_ =	strace $0x90000048  }
0xb6: {  	_ =	sfence  }
0xb7: {  	s30 =	sld [smem:$0x0];
	_ =	sdelay $0x2  }
0xb8: {  	s31 =	sshll.u32 s1, $0xD;
	s1 =	sshrl.u32 s1, $0x2  }
0xb9: {  	s3 =	sand.u32 $0x4000, s31;
	s1 =	sadd.s32 s1, s30  }
0xba: {  	s0 =	sor.u32 s3, s0;
	s1 =	sshll.u32 s1, $0x11  }
0xbb: {  	s0 =	sor.u32 s1, s0  }
0xbc: {  	s0 =	sadd.s32 $0x8F2B, s0  }
0xbd: {  	[sflag:s0] =	ssyncadd.remote.s32 $0x1  }
0xbe: {  	_ =	sfence.sel $0xFFFF  }
0xbf: {  	[dreg:$0x0] =	wrdreg $0xFFFFFFFF;
	(pc) =	sbr.abs _section_cstart, $3  }
0xc0: {  	[dreg:$0x1] =	wrdreg $0xFFFFFFFF  }
0xc1: {  	_ =	task.clear_ibuf [dreg:s6], $0x2FFFF;
	_ =	strace $0x9FFFFFFF  }
0xc2: {  	(tm) =	ssettm $0x7FFFFFFF  }
0xc3: {  	_ =	shalt  }
tec
execute0_lowered:
.L_overlay_start_1:
0x0: {  	(tag) =	ssettag $0x1  }
0x1: {  	s0 =	srdreg.scid  }
0x2: {  	s8 =	stileid.u32;
	s0 =	sand.u32 $0x1, s0  }
0x3: {  	s1 =	rddreg [dreg:$0x0];
	s4 =	sshrl.u32 s8, $0x2;
	s2 =	sshll.u32 s0, $0x2  }
0x4: {  	s3 =	rddreg [dreg:$0x1];
	s6 =	sand.u32 $0x3, s8;
	s4 =	sor.u32 s4, s2  }
0x5: {  	s20 =	sshll.u32 s8, $0xB;
	s7 =	sshll.u32 s6, $0xC;
	s5 =	sshll.u32 s4, $0xE  }
0x6: {  	s8 =	sshll.u32 s8, $0x7;
	s4 =	sshll.u32 s4, $0x4;
	s5 =	sor.u32 s7, s5  }
0x7: {  	s5 =	sadd.s32 s5, s1;
	s1 =	sadd.s32 s4, s1;
	s4 =	sand.u32 $0x4000, s20  }
0x8: {  	s23 =	sand.u32 $0x200, s8;
	s2 =	simm.s32 $0x0;
	s22 =	sadd.s32 s4, s3  }
0x9: {  	[smem:$0x7FF] =	sst s2;
	s1 =	sadd.s32 $0x20A00, s1;
	s9 =	sadd.s32 s23, s22  }
0xa: {  	_ =	strace $0x80000047;
	[dreg:$0x6] =	wrdreg s1;
	s24 =	sadd.s32 $0x80, s9  }
0xb: {  	s25 =	sadd.s32 $0x100, s9;
	[dreg:$0x3] =	wrdreg s24  }
0xc: {  	s26 =	sadd.s32 $0x180, s9;
	[dreg:$0x4] =	wrdreg s25  }
0xd: {  	s28 =	sadd.s32 $0x480, s9;
	[dreg:$0x5] =	wrdreg s26  }
0xe: {  	s29 =	sadd.s32 $0x880, s9;
	[dreg:$0x7] =	wrdreg s28  }
0xf: {  	s30 =	sadd.s32 $0xC80, s9;
	[dreg:$0x8] =	wrdreg s29  }
0x10: {  	s8 =	sand.u32 $0x380, s8;
	s31 =	sadd.s32 $0x1080, s9;
	[dreg:$0x9] =	wrdreg s30  }
0x11: {  	s3 =	sadd.s32 $0xA00, s5;
	s1 =	sadd.s32 $0x1480, s9;
	[dreg:$0xa] =	wrdreg s31  }
0x12: {  	s4 =	sadd.s32 $0x1200, s5;
	s7 =	sadd.s32 $0x1880, s9;
	[dreg:$0xb] =	wrdreg s1  }
0x13: {  	s5 =	sadd.s32 s8, s22;
	s8 =	sadd.s32 $0x1C80, s9;
	[dreg:$0xc] =	wrdreg s7  }
0x14: {  	s11 =	sadd.s32 $0x2080, s9;
	[dreg:$0xd] =	wrdreg s8  }
0x15: {  	s12 =	sadd.s32 $0x2480, s9;
	[dreg:$0xe] =	wrdreg s11  }
0x16: {  	s13 =	sadd.s32 $0x2880, s9;
	[dreg:$0xf] =	wrdreg s12  }
0x17: {  	s14 =	sadd.s32 $0x2C80, s9;
	[dreg:$0x10] =	wrdreg s13  }
0x18: {  	s15 =	sadd.s32 $0x3080, s9;
	[dreg:$0x11] =	wrdreg s14  }
0x19: {  	s16 =	sadd.s32 $0x3480, s9;
	[dreg:$0x12] =	wrdreg s15  }
0x1a: {  	s17 =	sadd.s32 $0x3880, s9;
	[dreg:$0x13] =	wrdreg s16  }
0x1b: {  	s18 =	sadd.s32 $0x3C80, s9;
	[dreg:$0x14] =	wrdreg s17  }
0x1c: {  	s0 =	ssub.s32 $0x2, s0;
	s19 =	sadd.s32 $0x500, s9;
	[dreg:$0x15] =	wrdreg s18  }
0x1d: {  	s21 =	sshrl.u32 s0, $0x1;
	s20 =	sadd.s32 $0x900, s9;
	[dreg:$0x16] =	wrdreg s19  }
0x1e: {  	s0 =	ssub.s32 s0, s21;
	s21 =	sadd.s32 $0xD00, s9;
	[dreg:$0x17] =	wrdreg s20  }
0x1f: {  	s22 =	sadd.s32 $0x1100, s9;
	[dreg:$0x18] =	wrdreg s21  }
0x20: {  	s23 =	sadd.s32 $0x1500, s9;
	[dreg:$0x19] =	wrdreg s22  }
0x21: {  	p0 =	sne.s32 s6, $0x0;
	s6 =	sadd.s32 $0x3900, s9;
	[dreg:$0x1a] =	wrdreg s23  }
0x22: {  	s24 =	sadd.s32 $0x1900, s9;
	[smem:$0x7E7] =	sst s6  }
0x23: {  	s25 =	sadd.s32 $0x1D00, s9;
	[dreg:$0x1b] =	wrdreg s24  }
0x24: {  	s26 =	sadd.s32 $0x2100, s9;
	[dreg:$0x1c] =	wrdreg s25  }
0x25: {  	s28 =	sadd.s32 $0x2500, s9;
	[dreg:$0x1d] =	wrdreg s26  }
0x26: {  	s29 =	sadd.s32 $0x2900, s9;
	[dreg:$0x1e] =	wrdreg s28  }
0x27: {  	s30 =	sadd.s32 $0x2D00, s9;
	[dreg:$0x1f] =	wrdreg s29  }
0x28: {  	s31 =	sadd.s32 $0x3100, s9;
	[smem:$0x7E4] =	sst s30  }
0x29: {  	s1 =	sadd.s32 $0x3500, s9;
	[smem:$0x7E5] =	sst s31  }
0x2a: {  	s7 =	sadd.s32 $0x3D00, s9;
	[smem:$0x7E6] =	sst s1  }
0x2b: {  	s8 =	sadd.s32 $0x580, s9;
	[smem:$0x7E8] =	sst s7  }
0x2c: {  	s11 =	sadd.s32 $0x980, s9;
	[smem:$0x7E9] =	sst s8  }
0x2d: {  	s12 =	sadd.s32 $0xD80, s9;
	[smem:$0x7EA] =	sst s11  }
0x2e: {  	s13 =	sadd.s32 $0x1180, s9;
	[smem:$0x7EB] =	sst s12  }
0x2f: {  	s14 =	sadd.s32 $0x1580, s9;
	[smem:$0x7EC] =	sst s13  }
0x30: {  	s15 =	sadd.s32 $0x1980, s9;
	[smem:$0x7ED] =	sst s14  }
0x31: {  	s16 =	sadd.s32 $0x1D80, s9;
	[smem:$0x7EE] =	sst s15  }
0x32: {  	s17 =	sadd.s32 $0x2180, s9;
	[smem:$0x7EF] =	sst s16  }
0x33: {  	s18 =	sadd.s32 $0x2580, s9;
	[smem:$0x7F0] =	sst s17  }
0x34: {  	s19 =	sadd.s32 $0x2980, s9;
	[smem:$0x7F1] =	sst s18  }
0x35: {  	s20 =	sadd.s32 $0x2D80, s9;
	[smem:$0x7F2] =	sst s19  }
0x36: {  	s21 =	sadd.s32 $0x3180, s9;
	[smem:$0x7F3] =	sst s20  }
0x37: {  	s22 =	sadd.s32 $0x3580, s9;
	[smem:$0x7F4] =	sst s21  }
0x38: {  	s10 =	smax.u32 s0, $0x1;
	s23 =	sadd.s32 $0x3980, s9;
	[smem:$0x7F5] =	sst s22  }
0x39: {  	[smem:$0x7F6] =	sst s23;
	s24 =	sadd.s32 $0x3D80, s9;
	s25 =	sadd.s32 $0x400, s5  }
0x3a: {  	s26 =	sadd.s32 $0x800, s5;
	s28 =	sadd.s32 $0xC00, s5;
	s29 =	sadd.s32 $0x1000, s5  }
0x3b: {  	s30 =	sadd.s32 $0x1400, s5;
	s31 =	sadd.s32 $0x1800, s5;
	s9 =	sadd.s32 $0x1C00, s5  }
0x3c: {  	s11 =	sadd.s32 $0x2000, s5;
	s12 =	sadd.s32 $0x2400, s5;
	[smem:$0x7F7] =	sst s24  }
0x3d: {  	s13 =	sadd.s32 $0x2800, s5;
	s14 =	sadd.s32 $0x2C00, s5;
	[smem:$0x7F8] =	sst s25  }
0x3e: {  	s15 =	sadd.s32 $0x3000, s5;
	s16 =	sadd.s32 $0x3400, s5;
	[smem:$0x7F9] =	sst s26  }
.Ltmp0:
0x3f: {  	s17 =	sadd.s32 $0x3800, s5;
	[smem:$0x7FA] =	sst s28;
	(pc) =	sbr.rel .LBB2_1-.Ltmp0, $4  }
0x40: {  	s18 =	sadd.s32 $0x3C00, s5;
	s19 =	simm.s32 $0x1;
	[smem:$0x7FB] =	sst s29  }
0x41: {  	v1 =	vlaneseq.u32;
	s20 =	simm.s32 $0x8000;
	s21 =	simm.s32 $0x2;
	[smem:$0x7FC] =	sst s30  }
0x42: {  	v1 =	vmul.u32 $0x800, v1;
	s22 =	simm.s32 $0x80;
	s23 =	simm.s32 $0x400;
	[smem:$0x7FD] =	sst s31  }
0x43: {  	v0 =	vimm.f32 $0.0e+00;
	v2 =	vimm.f32 $1.000000000e+00;
	vm0 =	vcmask $0x300;
	s24 =	simm.s32 $0x18000;
	s25 =	simm.s32 $0x3;
	s26 =	simm.s32 $0x0  }
.LBB2_18:
0x44: {  	v14 =	vadd.f32 v14, v17;
	v13 =	vadd.f32 v13, v18;
	_ =	sdelay $0x1  }
0x45: {  	v14 =	vadd.f32 v16, v14;
	v13 =	vadd.f32 v15, v13;
	_ =	sdelay $0x1  }
0x46: {  	v13 =	vadd.f32 v13, v14  }
0x47: {  	(xrf2) =	vadd.scan.msk.f32 $0xffff, v11  }
0x48: {  	(xrf2) =	vadd.scan.msk.f32 $0xffff, v13  }
0x49: {  	(xrf2) =	vadd.scan.msk.f32 $0xffff, v14;
	_ =	sdelay $0x1  }
0x4a: {  	v31 =	vld [tilespmem:s31+$0x19800]  }
0x4b: {  	s0 =	sadd.s32 $0x18800, s31;
	v33 =	vld [tilespmem:s31+$0x19880]  }
0x4c: {  	v32 =	vld [tilespmem:s0+$0x80]  }
0x4d: {  	v34, _, _ =	vpop (xrf2);
	v37 =	vld [tilespmem:s31+$0x19900]  }
0x4e: {  	v35 =	vld [tilespmem:s0+$0x100];
	v36, _, _ =	vpop (xrf2);
	(v2sf) =	vpush v34, $0xF  }
0x4f: {  	v20 =	vld [tilespmem:s31+$0x19980];
	(v2sf) =	vpush v36, $0xF;
	v19, _, _ =	vpop (xrf2)  }
0x50: {  	v21 =	vld [tilespmem:s0+$0x180];
	(v2sf) =	vpush v19, $0xF;
	v11 =	vadd.f32 v33, v31;
	v38, _, _ =	vpop (xrf2)  }
0x51: {  	v12 =	vadd.f32 v32, v12;
	(v2sf) =	vpush v38, $0xF;
	v39, _, _ =	vpop (xrf2)  }
0x52: {  	v11 =	vadd.f32 v37, v11;
	(v2sf) =	vpush v39, $0xF;
	v40, _, _ =	vpop (xrf2)  }
0x53: {  	v12 =	vadd.f32 v35, v12;
	(v2sf) =	vpush v40, $0xF;
	_ =	sdelay $0x1  }
0x54: {  	v11 =	vadd.f32 v20, v11;
	v12 =	vadd.f32 v21, v12;
	_ =	sdelay $0x1  }
0x55: {  	v11 =	vadd.f32 v11, v12;
	_ =	sdelay $0x1  }
0x56: {  	s0 =	spop (v2sf);
	(xrf2) =	vadd.scan.msk.f32 $0xffff, v11  }
0x57: {  	s1 =	spop (v2sf);
	(xrf2) =	vadd.scan.msk.f32 $0xffff, v12  }
0x58: {  	s1 =	sadd.f32 s1, s29;
	s6 =	spop (v2sf)  }
0x59: {  	v8 =	vadd.f32 s29, v8;
	s7 =	spop (v2sf)  }
0x5a: {  	v9 =	vadd.f32 s1, v9;
	s1 =	sadd.f32 s7, s1;
	s8 =	spop (v2sf)  }
0x5b: {  	v8 =	vadd.f32 v8, v3;
	s29 =	spop (v2sf)  }
0x5c: {  	v42 =	vadd.f32 s1, v36;
	s1 =	sadd.f32 s29, s1;
	s7 =	spop (v2sf)  }
0x5d: {  	(erf) = vrcp.f32 v8;
	v41 =	vadd.f32 v9, v3;
	s30 =	spop (v2sf)  }
0x5e: {  	v44 =	vadd.f32 s1, v38;
	s1 =	sadd.f32 s30, s1;
	s31 =	spop (v2sf)  }
0x5f: {  	(erf) = vrcp.f32 v41;
	v43 =	vadd.f32 v42, v3;
	s30 =	spop (v2sf)  }
0x60: {  	v46, _, _ =	vpop (xrf2);
	v45 =	vadd.f32 s1, v40;
	s1 =	sadd.f32 s30, s1  }
0x61: {  	(erf) = vrcp.f32 v43;
	v9 =	vadd.f32 v44, v3;
	v12, _, _ =	vpop (xrf2)  }
0x62: {  	v47 =	vadd.f32 s1, v12  }
0x63: {  	v49 =	vpop (erf);
	(erf) = vrcp.f32 v9;
	v48 =	vadd.f32 v45, v3  }
0x64: {  	v6 =	vadd.f32 v10, v6;
	v4 =	vmul.f32 v49, v4;
	v3 =	vadd.f32 v47, v3  }
0x65: {  	s0 =	sadd.f32 s0, s28;
	(erf) = vrcp.f32 v48  }
0x66: {  	v4 =	vadd.f32 v4, v6;
	v50 =	vpop (erf)  }
0x67: {  	v5 =	vadd.f32 s0, v5;
	s0 =	sadd.f32 s6, s0;
	v51 =	vmul.f32 v50, v7;
	(erf) = vrcp.f32 v3  }
0x68: {  	v3 =	vpop (erf)  }
0x69: {  	v52 =	vadd.f32 s0, v34;
	v4 =	vadd.f32 v51, v4;
	s0 =	sadd.f32 s8, s0;
	v3 =	vmul.f32 v3, v5  }
0x6a: {  	v53 =	vpop (erf)  }
0x6b: {  	v54 =	vadd.f32 s0, v19;
	s0 =	sadd.f32 s7, s0;
	v55 =	vmul.f32 v53, v52;
	v3 =	vadd.f32 v3, v4  }
0x6c: {  	v56 =	vpop (erf)  }
0x6d: {  	v57 =	vadd.f32 s0, v39;
	s0 =	sadd.f32 s31, s0;
	v58 =	vmul.f32 v56, v54;
	v3 =	vadd.f32 v55, v3  }
0x6e: {  	v59 =	vpop (erf)  }
0x6f: {  	v60 =	vadd.f32 s0, v46;
	v61 =	vmul.f32 v59, v57;
	v3 =	vadd.f32 v58, v3  }
0x70: {  	v62 =	vpop (erf)  }
0x71: {  	v63 =	vmul.f32 v62, v60;
	v3 =	vadd.f32 v61, v3;
	_ =	sdelay $0x1  }
0x72: {  	v3 =	vadd.f32 v63, v3;
	_ =	sdelay $0x1  }
0x73: {  	(xrf2) =	vadd.scan.msk.f32 $0xffff, v3;
	_ =	sdelay $0x8  }
0x74: {  	(v2sf) =	vpush v46, $0xF  }
0x75: {  	(v2sf) =	vpush v12, $0xF;
	v3, _, _ =	vpop (xrf2)  }
0x76: {  	(v2sf) =	vpush v3, $0xF;
	_ =	sdelay $0xc  }
0x77: {  	s28 =	spop (v2sf)  }
0x78: {  	s29 =	spop (v2sf)  }
0x79: {  	s0 =	spop (v2sf)  }
0x7a: {  	s0 =	smul.f32 $9.765625000e-04, s0;
	_ =	sdelay $0x1  }
0x7b: {  	s0 =	sadd.f32 $-4.882812500e-04, s0;
	_ =	sdelay $0x1  }
0x7c: {  	v3 =	vmov s0  }
0x7d: {  	v3 =	vnsel vm0, $0x0, v3  }
0x7e: {  	s31 =	simm.s32 $0x1A800;
	s30 =	rddreg [dreg:$0x6];
	[tilespmem:$0x1A800] =	vst v3  }
0x7f: {  	[hbm4b:s30+s2] =	stream.linear.scatter [tilespmem:s31], [sflag:$0x3], $0x80, $0x38;
	[tilespmem:$0x1B080] =	vst v63  }
0x80: {  	_ =	swait.ge [sflag:s25], $0x80  }
0x81: {  	[sflag:s25] =	ssyncset.done $0x0  }
0x82: {  	[sflag:s25] =	ssyncadd.s32 $0xFFFFFF80  }
.LBB2_19:
0x83: {  	s26 =	sadd.s32 $0x1, s26  }
0x84: {  	p1 =	sne.s32 s26, s10  }
.Ltmp1:
0x85: {  	_ = 	snop;
	(pc) =	sbr.rel @!p1 .LBB2_20-.Ltmp1, $1  }
0x86: {  	_ =	sdelay $0x3  }
.LBB2_1:
0x87: {  	s28 =	simm.s32 $0x40  }
0x88: {  	[tilespmem:s28+$0x30] =	vst v0  }
0x89: {  	[tilespmem:s28+$0xFFFFFFF0] =	vst v0  }
0x8a: {  	[tilespmem:s28+$0xFFFFFFC0] =	vst v0  }
0x8b: {  	[tilespmem:s28+$0xFFFFFFE0] =	vst v0  }
0x8c: {  	[tilespmem:s28+$0x10] =	vst v0  }
0x8d: {  	[tilespmem:s28+$0x20] =	vst v0  }
0x8e: {  	[tilespmem:s28+$0x0] =	vst v0  }
0x8f: {  	s29 =	simm.s32 $0x8040;
	[tilespmem:s28+$0xFFFFFFD0] =	vst v0  }
0x90: {  	[tilespmem:s29+$0xFFFFFFC0] =	vst v0  }
0x91: {  	[tilespmem:s29+$0x30] =	vst v0  }
0x92: {  	[tilespmem:s29+$0x20] =	vst v0  }
0x93: {  	[tilespmem:s29+$0x10] =	vst v0  }
0x94: {  	[tilespmem:s29+$0xFFFFFFE0] =	vst v0  }
0x95: {  	[tilespmem:s29+$0x0] =	vst v0  }
0x96: {  	s30 =	simm.s32 $0x0;
	s1 =	simm.s32 $0x10000;
	[tilespmem:s29+$0xFFFFFFF0] =	vst v0  }
.LBB2_2:
0x97: {  	s30 =	sadd.s32 $0x8, s30;
	[tilespmem:s29+$0xFFFFFFD0] =	vst v0;
	s28 =	sadd.s32 $0x80, s28;
	s29 =	sadd.s32 $0x80, s29  }
0x98: {  	[tilespmem:s28+$0x30] =	vst v0;
	p1 =	slt.u32 s30, $0x7F8  }
0x99: {  	[tilespmem:s28+$0xFFFFFFF0] =	vst v0  }
0x9a: {  	[tilespmem:s28+$0xFFFFFFC0] =	vst v0  }
0x9b: {  	[tilespmem:s29+$0xFFFFFFC0] =	vst v0  }
0x9c: {  	[tilespmem:s29+$0x30] =	vst v0  }
0x9d: {  	[tilespmem:s28+$0xFFFFFFE0] =	vst v0  }
0x9e: {  	[tilespmem:s28+$0x10] =	vst v0  }
0x9f: {  	[tilespmem:s28+$0x20] =	vst v0  }
0xa0: {  	[tilespmem:s29+$0x20] =	vst v0  }
0xa1: {  	[tilespmem:s29+$0x10] =	vst v0  }
.Ltmp2:
0xa2: {  	[tilespmem:s29+$0xFFFFFFE0] =	vst v0;
	(pc) =	sbr.rel @p1 .LBB2_2-.Ltmp2, $4  }
0xa3: {  	[tilespmem:s28+$0x0] =	vst v0  }
0xa4: {  	[tilespmem:s29+$0x0] =	vst v0  }
0xa5: {  	[tilespmem:s29+$0xFFFFFFF0] =	vst v0  }
0xa6: {  	[tilespmem:s28+$0xFFFFFFD0] =	vst v0  }
0xa7: {  	[tilespmem:s29+$0xFFFFFFD0] =	vst v0;
	s28 =	simm.s32 $0x10;
	s30 =	sadd.s32 $0x0, s3;
	s29 =	simm.s32 $0x10100  }
.LBB2_4:
0xa8: {  	[tilespmem:s1], [sflag:$0x1] =	stream.linear.gather [hbm4b:s30+s2], $0x80, $0x38;
	[tilespmem:$0x1B080] =	vst v63  }
0xa9: {  	s30 =	smov.u32 s28;
	s1 =	smov.u32 s29;
	p1 =	sne.s32 s28, $0x7F0  }
.Ltmp3:
0xaa: {  	s28 =	sadd.s32 $0x10, s28;
	(pc) =	sbr.rel @p1 .LBB2_4-.Ltmp3, $2  }
0xab: {  	_ =	sdelay $0x2  }
0xac: {  	s29 =	sadd.s32 $0x100, s29;
	s30 =	sadd.s32 s30, s3  }
0xad: {  	[tilespmem:s1], [sflag:$0x1] =	stream.linear.gather [hbm4b:s30+s2], $0x80, $0x38;
	[tilespmem:$0x1B080] =	vst v63  }
0xae: {  	_ =	swait.ge [sflag:s19], $0x4000  }
0xaf: {  	[sflag:s19] =	ssyncset.done $0x0  }
0xb0: {  	s1 =	simm.s32 $0x0;
	s28 =	simm.s32 $0x10080;
	[sflag:s19] =	ssyncadd.s32 $0xFFFFC000  }
.LBB2_6:
0xb1: {  	p1 =	sne.s32 s1, $0x7F0  }
.Ltmp4:
0xb2: {  	_ = 	snop;
	(pc) =	sbr.rel @p1 .LBB2_6-.Ltmp4, $4  }
0xb3: {  	_ = 	snop  }
0xb4: {  	s29 =	sadd.s32 s1, s4  }
0xb5: {  	[tilespmem:s28], [sflag:$0x2] =	stream.linear.gather [hbm4b:s29+s2], $0x80, $0x38;
	[tilespmem:$0x1B080] =	vst v63  }
0xb6: {  	s1 =	sadd.s32 $0x10, s1;
	s28 =	sadd.s32 $0x100, s28  }
0xb7: {  	s28 =	simm.s32 $0x10040  }
0xb8: {  	v3 =	vld [tilespmem:s28+$0x0]  }
0xb9: {  	v4 =	vld [tilespmem:s28+$0xFFFFFFF0]  }
0xba: {  	v8 =	vld [tilespmem:s28+$0x10];
	_ =	sdelay $0x2  }
0xbb: {  	v6 =	vand.u32 $0xFFFF, v3  }
0xbc: {  	v9 =	vld [tilespmem:s28+$0xFFFFFFE0];
	v7 =	vand.u32 $0xFFFF, v4;
	v10 =	vadd.s32 v1, v6  }
0xbd: {  	v5 =	vld [tilespmem:s28+$0xFFFFFFD0];
	v11 =	vadd.s32 v1, v7;
	v6 =	vand.u32 $0xFFFF, v8  }
0xbe: {  	v14 =	vld [tilespmem:s28+$0xFFFFFFC0];
	v7 =	vshra.s32 v4, $0x10;
	v12 =	vadd.s32 v1, v6  }
0xbf: {  	v3 =	vshra.s32 v3, $0x10;
	v4 =	vld [tilespmem:s28+$0x20];
	v13 =	vadd.s32 v1, v7  }
0xc0: {  	v7 =	vld [tilespmem:s28+$0x30];
	v6 =	vadd.s32 v1, v3  }
0xc1: {  	v15 =	vshra.s32 v9, $0x10;
	v9 =	vand.u32 $0xFFFF, v9;
	[tilespmem:v10+s2+$0x0] =	vst.idx.add.f32.msk $0xffff, v2  }
0xc2: {  	v3 =	vshra.s32 v5, $0x10;
	[tilespmem:v11+s2+$0x0] =	vst.idx.add.f32.msk $0xffff, v2;
	v10 =	vshra.s32 v8, $0x10;
	v8 =	vadd.s32 v1, v9  }
0xc3: {  	v5 =	vand.u32 $0xFFFF, v5;
	v3 =	vadd.s32 v1, v3;
	v9 =	vadd.s32 v1, v15;
	[tilespmem:v12+s2+$0x0] =	vst.idx.add.f32.msk $0xffff, v2  }
0xc4: {  	s29 =	simm.s32 $0x0;
	v11 =	vshra.s32 v14, $0x10;
	v12 =	vand.u32 $0xFFFF, v14;
	[tilespmem:v13+s20+$0x0] =	vst.idx.add.f32.msk $0xffff, v2;
	v10 =	vadd.s32 v1, v10  }
.LBB2_8:
0xc5: {  	s29 =	sadd.s32 $0x8, s29;
	v12 =	vadd.s32 v1, v12;
	[tilespmem:v6+s20+$0x0] =	vst.idx.add.f32.msk $0xffff, v2;
	v6 =	vand.u32 $0xFFFF, v7;
	s28 =	sadd.s32 $0x100, s28  }
0xc6: {  	v11 =	vadd.s32 v1, v11;
	v7 =	vshra.s32 v7, $0x10;
	v13 =	vld [tilespmem:s28+$0xFFFFFFD0];
	p1 =	slt.u32 s29, $0x3F8;
	v6 =	vadd.s32 v1, v6  }
0xc7: {  	v7 =	vadd.s32 v1, v7;
	[tilespmem:v8+s2+$0x0] =	vst.idx.add.f32.msk $0xffff, v2  }
0xc8: {  	v8 =	vshra.s32 v4, $0x10;
	v4 =	vand.u32 $0xFFFF, v4;
	[tilespmem:v9+s20+$0x0] =	vst.idx.add.f32.msk $0xffff, v2  }
0xc9: {  	v4 =	vadd.s32 v1, v4;
	[tilespmem:v10+s20+$0x0] =	vst.idx.add.f32.msk $0xffff, v2  }
0xca: {  	v5 =	vadd.s32 v1, v5;
	v8 =	vadd.s32 v1, v8;
	v9 =	vld [tilespmem:s28+$0xFFFFFFE0]  }
0xcb: {  	v10 =	vld [tilespmem:s28+$0xFFFFFFF0]  }
0xcc: {  	[tilespmem:v12+s2+$0x0] =	vst.idx.add.f32.msk $0xffff, v2  }
0xcd: {  	v12 =	vld [tilespmem:s28+$0x0]  }
0xce: {  	[tilespmem:v11+s20+$0x0] =	vst.idx.add.f32.msk $0xffff, v2  }
0xcf: {  	v11 =	vshra.s32 v9, $0x10;
	[tilespmem:v6+s2+$0x0] =	vst.idx.add.f32.msk $0xffff, v2  }
0xd0: {  	v14 =	vld [tilespmem:s28+$0x10]  }
0xd1: {  	[tilespmem:v7+s20+$0x0] =	vst.idx.add.f32.msk $0xffff, v2  }
0xd2: {  	[tilespmem:v4+s2+$0x0] =	vst.idx.add.f32.msk $0xffff, v2  }
0xd3: {  	v4 =	vshra.s32 v12, $0x10;
	v6 =	vand.u32 $0xFFFF, v12;
	[tilespmem:v8+s20+$0x0] =	vst.idx.add.f32.msk $0xffff, v2  }
0xd4: {  	v7 =	vand.u32 $0xFFFF, v10;
	v12 =	vadd.s32 v1, v6;
	v6 =	vadd.s32 v1, v4;
	[tilespmem:v5+s2+$0x0] =	vst.idx.add.f32.msk $0xffff, v2  }
0xd5: {  	v4 =	vshra.s32 v10, $0x10;
	v10 =	vadd.s32 v1, v7;
	v5 =	vand.u32 $0xFFFF, v14;
	[tilespmem:v3+s20+$0x0] =	vst.idx.add.f32.msk $0xffff, v2  }
0xd6: {  	v7 =	vand.u32 $0xFFFF, v9;
	v15 =	vadd.s32 v1, v4;
	v16 =	vadd.s32 v1, v5;
	v4 =	vld [tilespmem:s28+$0x20]  }
0xd7: {  	v3 =	vshra.s32 v13, $0x10;
	v5 =	vand.u32 $0xFFFF, v13;
	v13 =	vshra.s32 v14, $0x10;
	v17 =	vld [tilespmem:s28+$0xFFFFFFC0]  }
.Ltmp5:
0xd8: {  	v8 =	vadd.s32 v1, v7;
	v3 =	vadd.s32 v1, v3;
	v7 =	vld [tilespmem:s28+$0x30];
	(pc) =	sbr.rel @p1 .LBB2_8-.Ltmp5, $4  }
0xd9: {  	[tilespmem:v12+s2+$0x0] =	vst.idx.add.f32.msk $0xffff, v2  }
0xda: {  	[tilespmem:v10+s2+$0x0] =	vst.idx.add.f32.msk $0xffff, v2  }
0xdb: {  	v9 =	vadd.s32 v1, v11;
	[tilespmem:v16+s2+$0x0] =	vst.idx.add.f32.msk $0xffff, v2  }
0xdc: {  	v10 =	vadd.s32 v1, v13;
	v11 =	vshra.s32 v17, $0x10;
	v12 =	vand.u32 $0xFFFF, v17;
	[tilespmem:v15+s20+$0x0] =	vst.idx.add.f32.msk $0xffff, v2  }
0xdd: {  	_ =	sdelay $0x2  }
0xde: {  	v12 =	vadd.s32 v1, v12  }
0xdf: {  	[tilespmem:v6+s20+$0x0] =	vst.idx.add.f32.msk $0xffff, v2;
	v5 =	vadd.s32 v1, v5  }
0xe0: {  	v6 =	vand.u32 $0xFFFF, v7;
	v11 =	vadd.s32 v1, v11;
	[tilespmem:v8+s2+$0x0] =	vst.idx.add.f32.msk $0xffff, v2  }
0xe1: {  	v8 =	vand.u32 $0xFFFF, v4;
	[tilespmem:v10+s20+$0x0] =	vst.idx.add.f32.msk $0xffff, v2;
	v6 =	vadd.s32 v1, v6  }
0xe2: {  	[tilespmem:v9+s20+$0x0] =	vst.idx.add.f32.msk $0xffff, v2;
	v8 =	vadd.s32 v1, v8  }
0xe3: {  	v7 =	vshra.s32 v7, $0x10;
	[tilespmem:v12+s2+$0x0] =	vst.idx.add.f32.msk $0xffff, v2  }
0xe4: {  	v4 =	vshra.s32 v4, $0x10;
	v7 =	vadd.s32 v1, v7;
	[tilespmem:v5+s2+$0x0] =	vst.idx.add.f32.msk $0xffff, v2  }
0xe5: {  	v4 =	vadd.s32 v1, v4;
	[tilespmem:v11+s20+$0x0] =	vst.idx.add.f32.msk $0xffff, v2  }
0xe6: {  	[tilespmem:v6+s2+$0x0] =	vst.idx.add.f32.msk $0xffff, v2  }
0xe7: {  	[tilespmem:v8+s2+$0x0] =	vst.idx.add.f32.msk $0xffff, v2  }
0xe8: {  	[tilespmem:v3+s20+$0x0] =	vst.idx.add.f32.msk $0xffff, v2  }
0xe9: {  	[tilespmem:v7+s20+$0x0] =	vst.idx.add.f32.msk $0xffff, v2  }
0xea: {  	[tilespmem:v4+s20+$0x0] =	vst.idx.add.f32.msk $0xffff, v2  }
0xeb: {  	_ =	swait.ge [sflag:s21], $0x4000  }
0xec: {  	[sflag:s21] =	ssyncset.done $0x0  }
0xed: {  	s1 =	simm.s32 $0x100F0;
	[sflag:s21] =	ssyncadd.s32 $0xFFFFC000  }
0xee: {  	v3 =	vld [tilespmem:s1+$0xFFFFFFE0]  }
0xef: {  	v6 =	vld [tilespmem:s1+$0xFFFFFFD0]  }
0xf0: {  	v7 =	vld [tilespmem:s1+$0xFFFFFFF0]  }
0xf1: {  	v4 =	vld [tilespmem:s1+$0xFFFFFFC0]  }
0xf2: {  	v8 =	vld [tilespmem:s1+$0xFFFFFFA0]  }
0xf3: {  	v9 =	vld [tilespmem:s1+$0x0];
	v5 =	vand.u32 $0xFFFF, v3  }
0xf4: {  	v11 =	vld [tilespmem:s1+$0xFFFFFFB0];
	v3 =	vshra.s32 v3, $0x10;
	v10 =	vadd.s32 v1, v5  }
0xf5: {  	v5 =	vand.u32 $0xFFFF, v6;
	v12 =	vadd.s32 v1, v3  }
0xf6: {  	v3 =	vand.u32 $0xFFFF, v7;
	v13 =	vadd.s32 v1, v5  }
0xf7: {  	v17 =	vshra.s32 v8, $0x10;
	v14 =	vadd.s32 v1, v3;
	v3 =	vand.u32 $0xFFFF, v4  }
0xf8: {  	s28 =	simm.s32 $0x0;
	v15 =	vld [tilespmem:s1+$0xFFFFFF90];
	v8 =	vand.u32 $0xFFFF, v8;
	v5 =	vshra.s32 v4, $0x10;
	v16 =	vadd.s32 v1, v3  }
0xf9: {  	v18 =	vshra.s32 v11, $0x10;
	v4 =	vand.u32 $0xFFFF, v9;
	v5 =	vadd.s32 v1, v5;
	[tilespmem:v10+s28+$0x0] =	vst.idx.add.f32.msk $0xffff, v2  }
0xfa: {  	v3 =	vadd.s32 v1, v4;
	v10 =	vshra.s32 v6, $0x10;
	v6 =	vshra.s32 v7, $0x10;
	[tilespmem:v12+s20+$0x0] =	vst.idx.add.f32.msk $0xffff, v2  }
0xfb: {  	v4 =	vadd.s32 v1, v8;
	v8 =	vand.u32 $0xFFFF, v11;
	[tilespmem:v13+s28+$0x0] =	vst.idx.add.f32.msk $0xffff, v2;
	v11 =	vadd.s32 v1, v6  }
0xfc: {  	v9 =	vshra.s32 v9, $0x10;
	v8 =	vadd.s32 v1, v8;
	v7 =	vadd.s32 v1, v18;
	[tilespmem:v14+s28+$0x0] =	vst.idx.add.f32.msk $0xffff, v2  }
0xfd: {  	s29 =	simm.s32 $0x0;
	s30 =	simm.s32 $0x101F0;
	v12 =	vshra.s32 v15, $0x10;
	v13 =	vand.u32 $0xFFFF, v15;
	v6 =	vadd.s32 v1, v17;
	[tilespmem:v16+s28+$0x0] =	vst.idx.add.f32.msk $0xffff, v2  }
.LBB2_10:
0xfe: {  	v14 =	vld [tilespmem:s30+$0xFFFFFFE0];
	s29 =	sadd.s32 $0x8, s29;
	v13 =	vadd.s32 v1, v13  }
0xff: {  	v12 =	vadd.s32 v1, v12;
	v15 =	vld [tilespmem:s30+$0xFFFFFFF0];
	p1 =	slt.u32 s29, $0x3F8  }
0x100: {  	[tilespmem:v11+s20+$0x0] =	vst.idx.add.f32.msk $0xffff, v2  }
0x101: {  	v11 =	vld [tilespmem:s30+$0xFFFFFFA0]  }
0x102: {  	v16 =	vld [tilespmem:s30+$0xFFFFFFB0]  }
0x103: {  	[tilespmem:v13+s28+$0x0] =	vst.idx.add.f32.msk $0xffff, v2  }
0x104: {  	v10 =	vadd.s32 v1, v10;
	v13 =	vld [tilespmem:s30+$0xFFFFFFC0]  }
0x105: {  	[tilespmem:v12+s20+$0x0] =	vst.idx.add.f32.msk $0xffff, v2  }
0x106: {  	v12 =	vld [tilespmem:s30+$0xFFFFFFD0]  }
0x107: {  	v17 =	vld [tilespmem:s30+$0x0]  }
0x108: {  	[tilespmem:v5+s20+$0x0] =	vst.idx.add.f32.msk $0xffff, v2  }
0x109: {  	v9 =	vadd.s32 v1, v9;
	[tilespmem:v10+s20+$0x0] =	vst.idx.add.f32.msk $0xffff, v2  }
0x10a: {  	[tilespmem:v8+s28+$0x0] =	vst.idx.add.f32.msk $0xffff, v2  }
0x10b: {  	v5 =	vand.u32 $0xFFFF, v14;
	v10 =	vand.u32 $0xFFFF, v15;
	v8 =	vand.u32 $0xFFFF, v12;
	[tilespmem:v7+s20+$0x0] =	vst.idx.add.f32.msk $0xffff, v2  }
0x10c: {  	v7 =	vshra.s32 v14, $0x10;
	v14 =	vadd.s32 v1, v5;
	v18 =	vand.u32 $0xFFFF, v17;
	[tilespmem:v4+s28+$0x0] =	vst.idx.add.f32.msk $0xffff, v2  }
0x10d: {  	v20 =	vadd.s32 v1, v10;
	v4 =	vshra.s32 v13, $0x10;
	v19 =	vadd.s32 v1, v7;
	[tilespmem:v3+s28+$0x0] =	vst.idx.add.f32.msk $0xffff, v2  }
0x10e: {  	v7 =	vand.u32 $0xFFFF, v13;
	v13 =	vadd.s32 v1, v8;
	v5 =	vadd.s32 v1, v4;
	[tilespmem:v9+s20+$0x0] =	vst.idx.add.f32.msk $0xffff, v2  }
0x10f: {  	v21 =	vshra.s32 v11, $0x10;
	v4 =	vand.u32 $0xFFFF, v11;
	v3 =	vadd.s32 v1, v18;
	[tilespmem:v6+s20+$0x0] =	vst.idx.add.f32.msk $0xffff, v2  }
0x110: {  	v18 =	vadd.s32 v1, v7;
	v4 =	vadd.s32 v1, v4;
	v9 =	vshra.s32 v16, $0x10;
	v6 =	vld [tilespmem:s30+$0xFFFFFF90]  }
.Ltmp6:
0x111: {  	v10 =	vshra.s32 v12, $0x10;
	v7 =	vand.u32 $0xFFFF, v16;
	v11 =	vshra.s32 v15, $0x10;
	[tilespmem:v14+s28+$0x0] =	vst.idx.add.f32.msk $0xffff, v2;
	(pc) =	sbr.rel @p1 .LBB2_10-.Ltmp6, $4  }
0x112: {  	v8 =	vadd.s32 v1, v7;
	v7 =	vadd.s32 v1, v9;
	v9 =	vshra.s32 v17, $0x10;
	[tilespmem:v19+s20+$0x0] =	vst.idx.add.f32.msk $0xffff, v2  }
0x113: {  	v11 =	vadd.s32 v1, v11;
	[tilespmem:v13+s28+$0x0] =	vst.idx.add.f32.msk $0xffff, v2  }
0x114: {  	[tilespmem:v20+s28+$0x0] =	vst.idx.add.f32.msk $0xffff, v2  }
0x115: {  	s30 =	sadd.s32 $0x100, s30;
	v12 =	vshra.s32 v6, $0x10;
	v13 =	vand.u32 $0xFFFF, v6;
	v6 =	vadd.s32 v1, v21;
	[tilespmem:v18+s28+$0x0] =	vst.idx.add.f32.msk $0xffff, v2  }
0x116: {  	_ =	sdelay $0x3  }
0x117: {  	[tilespmem:v11+s20+$0x0] =	vst.idx.add.f32.msk $0xffff, v2  }
0x118: {  	[tilespmem:v5+s20+$0x0] =	vst.idx.add.f32.msk $0xffff, v2  }
0x119: {  	v13 =	vadd.s32 v1, v13;
	[tilespmem:v8+s28+$0x0] =	vst.idx.add.f32.msk $0xffff, v2  }
0x11a: {  	v10 =	vadd.s32 v1, v10;
	[tilespmem:v4+s28+$0x0] =	vst.idx.add.f32.msk $0xffff, v2  }
0x11b: {  	v5 =	vadd.s32 v1, v9;
	[tilespmem:v3+s28+$0x0] =	vst.idx.add.f32.msk $0xffff, v2  }
0x11c: {  	v12 =	vadd.s32 v1, v12;
	[tilespmem:v7+s20+$0x0] =	vst.idx.add.f32.msk $0xffff, v2  }
0x11d: {  	[tilespmem:v6+s20+$0x0] =	vst.idx.add.f32.msk $0xffff, v2  }
0x11e: {  	[tilespmem:v13+s28+$0x0] =	vst.idx.add.f32.msk $0xffff, v2  }
0x11f: {  	[tilespmem:v10+s20+$0x0] =	vst.idx.add.f32.msk $0xffff, v2  }
0x120: {  	[tilespmem:v5+s20+$0x0] =	vst.idx.add.f32.msk $0xffff, v2  }
0x121: {  	s28 =	simm.s32 $0x0;
	[tilespmem:v12+s20+$0x0] =	vst.idx.add.f32.msk $0xffff, v2  }
0x122: {  	v3 =	vld [tilespmem:s28+$0x10]  }
0x123: {  	v4 =	vld [tilespmem:s28+$0x8010]  }
0x124: {  	v5 =	vld [tilespmem:s28+$0x0]  }
0x125: {  	v6 =	vld [tilespmem:s28+$0x810]  }
0x126: {  	v7 =	vld [tilespmem:s28+$0x8000]  }
0x127: {  	v8 =	vld [tilespmem:s28+$0x8810]  }
0x128: {  	v9 =	vld [tilespmem:s28+$0x800];
	v3 =	vadd.f32 v4, v3  }
0x129: {  	v4 =	vld [tilespmem:s28+$0x1010]  }
0x12a: {  	v10 =	vld [tilespmem:s28+$0x8800];
	v3 =	vadd.f32 v6, v3  }
0x12b: {  	v5 =	vadd.f32 v7, v5;
	v6 =	vld [tilespmem:s28+$0x9010]  }
0x12c: {  	v7 =	vld [tilespmem:s28+$0x1000];
	v3 =	vadd.f32 v8, v3  }
0x12d: {  	v5 =	vadd.f32 v9, v5;
	v8 =	vld [tilespmem:s28+$0x1810]  }
0x12e: {  	v9 =	vld [tilespmem:s28+$0x9000];
	v3 =	vadd.f32 v4, v3  }
0x12f: {  	v5 =	vadd.f32 v10, v5;
	v4 =	vld [tilespmem:s28+$0x9810]  }
0x130: {  	v10 =	vld [tilespmem:s28+$0x1800];
	v3 =	vadd.f32 v6, v3  }
0x131: {  	v5 =	vadd.f32 v7, v5;
	v6 =	vld [tilespmem:s28+$0x2010]  }
0x132: {  	v7 =	vld [tilespmem:s28+$0x9800];
	v3 =	vadd.f32 v8, v3  }
0x133: {  	v5 =	vadd.f32 v9, v5;
	v8 =	vld [tilespmem:s28+$0xA010]  }
0x134: {  	v9 =	vld [tilespmem:s28+$0x2000];
	v3 =	vadd.f32 v4, v3  }
0x135: {  	v5 =	vadd.f32 v10, v5;
	v4 =	vld [tilespmem:s28+$0x2810]  }
0x136: {  	v10 =	vld [tilespmem:s28+$0xA000];
	v3 =	vadd.f32 v6, v3  }
0x137: {  	v5 =	vadd.f32 v7, v5;
	v6 =	vld [tilespmem:s28+$0xA810]  }
0x138: {  	v7 =	vld [tilespmem:s28+$0x2800];
	v3 =	vadd.f32 v8, v3  }
0x139: {  	v5 =	vadd.f32 v9, v5;
	v8 =	vld [tilespmem:s28+$0x3010]  }
0x13a: {  	v9 =	vld [tilespmem:s28+$0xA800];
	v3 =	vadd.f32 v4, v3  }
0x13b: {  	v5 =	vadd.f32 v10, v5;
	v4 =	vld [tilespmem:s28+$0xB010]  }
0x13c: {  	v10 =	vld [tilespmem:s28+$0x3000];
	v3 =	vadd.f32 v6, v3  }
0x13d: {  	v5 =	vadd.f32 v7, v5;
	v6 =	vld [tilespmem:s28+$0x3810]  }
0x13e: {  	v7 =	vld [tilespmem:s28+$0xB000];
	v3 =	vadd.f32 v8, v3  }
0x13f: {  	v5 =	vadd.f32 v9, v5;
	v8 =	vld [tilespmem:s28+$0xB810]  }
0x140: {  	v9 =	vld [tilespmem:s28+$0x3800];
	v3 =	vadd.f32 v4, v3  }
0x141: {  	v5 =	vadd.f32 v10, v5;
	v4 =	vld [tilespmem:s28+$0x4010]  }
0x142: {  	v10 =	vld [tilespmem:s28+$0xB800];
	v3 =	vadd.f32 v6, v3  }
0x143: {  	v5 =	vadd.f32 v7, v5;
	v6 =	vld [tilespmem:s28+$0xC010]  }
0x144: {  	v7 =	vld [tilespmem:s28+$0x4000];
	v3 =	vadd.f32 v8, v3  }
0x145: {  	v5 =	vadd.f32 v9, v5;
	v8 =	vld [tilespmem:s28+$0x4810]  }
0x146: {  	v9 =	vld [tilespmem:s28+$0xC000];
	v3 =	vadd.f32 v4, v3  }
0x147: {  	v5 =	vadd.f32 v10, v5;
	v4 =	vld [tilespmem:s28+$0xC810]  }
0x148: {  	v10 =	vld [tilespmem:s28+$0x4800];
	v3 =	vadd.f32 v6, v3  }
0x149: {  	v5 =	vadd.f32 v7, v5;
	v6 =	vld [tilespmem:s28+$0x5010]  }
0x14a: {  	v7 =	vld [tilespmem:s28+$0xC800];
	v3 =	vadd.f32 v8, v3  }
0x14b: {  	v5 =	vadd.f32 v9, v5;
	v8 =	vld [tilespmem:s28+$0xD010]  }
0x14c: {  	v9 =	vld [tilespmem:s28+$0x5000];
	v3 =	vadd.f32 v4, v3  }
0x14d: {  	v5 =	vadd.f32 v10, v5;
	v4 =	vld [tilespmem:s28+$0x5810]  }
0x14e: {  	v10 =	vld [tilespmem:s28+$0xD000];
	v3 =	vadd.f32 v6, v3  }
0x14f: {  	v5 =	vadd.f32 v7, v5;
	v6 =	vld [tilespmem:s28+$0xD810]  }
0x150: {  	v7 =	vld [tilespmem:s28+$0x5800];
	v3 =	vadd.f32 v8, v3  }
0x151: {  	v5 =	vadd.f32 v9, v5;
	v8 =	vld [tilespmem:s28+$0x6010]  }
0x152: {  	v9 =	vld [tilespmem:s28+$0xD800];
	v3 =	vadd.f32 v4, v3  }
0x153: {  	v5 =	vadd.f32 v10, v5;
	v4 =	vld [tilespmem:s28+$0xE010]  }
0x154: {  	v10 =	vld [tilespmem:s28+$0x6000];
	v3 =	vadd.f32 v6, v3  }
0x155: {  	v5 =	vadd.f32 v7, v5;
	v6 =	vld [tilespmem:s28+$0x6810]  }
0x156: {  	v7 =	vld [tilespmem:s28+$0xE000];
	v3 =	vadd.f32 v8, v3  }
0x157: {  	v5 =	vadd.f32 v9, v5;
	v8 =	vld [tilespmem:s28+$0xE810]  }
0x158: {  	v9 =	vld [tilespmem:s28+$0x6800];
	v3 =	vadd.f32 v4, v3  }
0x159: {  	v11 =	vld [tilespmem:s28+$0x7010];
	v4 =	vadd.f32 v10, v5  }
0x15a: {  	v10 =	vld [tilespmem:s28+$0xE800];
	v3 =	vadd.f32 v6, v3  }
0x15b: {  	v12 =	vld [tilespmem:s28+$0xF010];
	v4 =	vadd.f32 v7, v4  }
0x15c: {  	v6 =	vld [tilespmem:s28+$0x7000];
	v5 =	vadd.f32 v8, v3  }
0x15d: {  	v3 =	vld [tilespmem:s28+$0x7810];
	v7 =	vadd.f32 v9, v4  }
0x15e: {  	v4 =	vld [tilespmem:s28+$0xF000];
	v8 =	vadd.f32 v11, v5  }
0x15f: {  	v5 =	vld [tilespmem:s28+$0xF810];
	v9 =	vadd.f32 v10, v7  }
0x160: {  	s29 =	simm.s32 $0x0;
	s30 =	simm.s32 $0x80;
	v7 =	vld [tilespmem:s28+$0x7800];
	v8 =	vadd.f32 v12, v8  }
.LBB2_12:
0x161: {  	s1 =	sshra.s32 s30, $0x2;
	v6 =	vadd.f32 v6, v9;
	v9 =	vld [tilespmem:s28+$0xF800]  }
0x162: {  	s29 =	sadd.s32 $0x2, s29;
	v10 =	vld [tilespmem:s1+$0x10];
	v3 =	vadd.f32 v3, v8  }
0x163: {  	p1 =	slt.u32 s29, $0x7E;
	v8 =	vld [tilespmem:s1+$0x8010];
	v4 =	vadd.f32 v4, v6  }
0x164: {  	v6 =	vld [tilespmem:s1+$0x0];
	v3 =	vadd.f32 v5, v3  }
0x165: {  	v5 =	vld [tilespmem:s1+$0x810];
	v4 =	vadd.f32 v7, v4  }
0x166: {  	v7 =	vld [tilespmem:s1+$0x8000];
	[tilespmem:s28+$0x18010] =	vst v3  }
0x167: {  	v3 =	vld [tilespmem:s1+$0x8810];
	v4 =	vadd.f32 v9, v4  }
0x168: {  	v9 =	vld [tilespmem:s1+$0x800];
	v8 =	vadd.f32 v8, v10  }
0x169: {  	v10 =	vld [tilespmem:s1+$0x1010];
	[tilespmem:s28+$0x18000] =	vst v4;
	s28 =	smov.u32 s1  }
0x16a: {  	v4 =	vld [tilespmem:s28+$0x8800];
	v5 =	vadd.f32 v5, v8  }
0x16b: {  	v6 =	vadd.f32 v7, v6;
	v7 =	vld [tilespmem:s28+$0x9010]  }
0x16c: {  	v8 =	vld [tilespmem:s28+$0x1000];
	v3 =	vadd.f32 v3, v5  }
0x16d: {  	v5 =	vadd.f32 v9, v6;
	v6 =	vld [tilespmem:s28+$0x1810]  }
0x16e: {  	v9 =	vld [tilespmem:s28+$0x9000];
	v3 =	vadd.f32 v10, v3  }
0x16f: {  	v4 =	vadd.f32 v4, v5;
	v5 =	vld [tilespmem:s28+$0x9810]  }
0x170: {  	v10 =	vld [tilespmem:s28+$0x1800];
	v3 =	vadd.f32 v7, v3  }
0x171: {  	v4 =	vadd.f32 v8, v4;
	v7 =	vld [tilespmem:s28+$0x2010]  }
0x172: {  	v8 =	vld [tilespmem:s28+$0x9800];
	v3 =	vadd.f32 v6, v3  }
0x173: {  	v4 =	vadd.f32 v9, v4;
	v6 =	vld [tilespmem:s28+$0xA010]  }
0x174: {  	v9 =	vld [tilespmem:s28+$0x2000];
	v3 =	vadd.f32 v5, v3  }
0x175: {  	v4 =	vadd.f32 v10, v4;
	v5 =	vld [tilespmem:s28+$0x2810]  }
0x176: {  	v10 =	vld [tilespmem:s28+$0xA000];
	v3 =	vadd.f32 v7, v3  }
0x177: {  	v4 =	vadd.f32 v8, v4;
	v7 =	vld [tilespmem:s28+$0xA810]  }
0x178: {  	v8 =	vld [tilespmem:s28+$0x2800];
	v3 =	vadd.f32 v6, v3  }
0x179: {  	v4 =	vadd.f32 v9, v4;
	v6 =	vld [tilespmem:s28+$0x3010]  }
0x17a: {  	v9 =	vld [tilespmem:s28+$0xA800];
	v3 =	vadd.f32 v5, v3  }
0x17b: {  	v4 =	vadd.f32 v10, v4;
	v5 =	vld [tilespmem:s28+$0xB010]  }
0x17c: {  	v10 =	vld [tilespmem:s28+$0x3000];
	v3 =	vadd.f32 v7, v3  }
0x17d: {  	v4 =	vadd.f32 v8, v4;
	v7 =	vld [tilespmem:s28+$0x3810]  }
0x17e: {  	v8 =	vld [tilespmem:s28+$0xB000];
	v3 =	vadd.f32 v6, v3  }
0x17f: {  	v4 =	vadd.f32 v9, v4;
	v6 =	vld [tilespmem:s28+$0xB810]  }
0x180: {  	v9 =	vld [tilespmem:s28+$0x3800];
	v3 =	vadd.f32 v5, v3  }
0x181: {  	v4 =	vadd.f32 v10, v4;
	v5 =	vld [tilespmem:s28+$0x4010]  }
0x182: {  	v10 =	vld [tilespmem:s28+$0xB800];
	v3 =	vadd.f32 v7, v3  }
0x183: {  	v4 =	vadd.f32 v8, v4;
	v7 =	vld [tilespmem:s28+$0xC010]  }
0x184: {  	v8 =	vld [tilespmem:s28+$0x4000];
	v3 =	vadd.f32 v6, v3  }
0x185: {  	v4 =	vadd.f32 v9, v4;
	v6 =	vld [tilespmem:s28+$0x4810]  }
0x186: {  	v9 =	vld [tilespmem:s28+$0xC000];
	v3 =	vadd.f32 v5, v3  }
0x187: {  	v4 =	vadd.f32 v10, v4;
	v5 =	vld [tilespmem:s28+$0xC810]  }
0x188: {  	v10 =	vld [tilespmem:s28+$0x4800];
	v3 =	vadd.f32 v7, v3  }
0x189: {  	v4 =	vadd.f32 v8, v4;
	v7 =	vld [tilespmem:s28+$0x5010]  }
0x18a: {  	v8 =	vld [tilespmem:s28+$0xC800];
	v3 =	vadd.f32 v6, v3  }
0x18b: {  	v4 =	vadd.f32 v9, v4;
	v6 =	vld [tilespmem:s28+$0xD010]  }
0x18c: {  	v9 =	vld [tilespmem:s28+$0x5000];
	v3 =	vadd.f32 v5, v3  }
0x18d: {  	v4 =	vadd.f32 v10, v4;
	v5 =	vld [tilespmem:s28+$0x5810]  }
0x18e: {  	v10 =	vld [tilespmem:s28+$0xD000];
	v3 =	vadd.f32 v7, v3  }
0x18f: {  	v4 =	vadd.f32 v8, v4;
	v7 =	vld [tilespmem:s28+$0xD810]  }
0x190: {  	v8 =	vld [tilespmem:s28+$0x5800];
	v3 =	vadd.f32 v6, v3  }
0x191: {  	v4 =	vadd.f32 v9, v4;
	v6 =	vld [tilespmem:s28+$0x6010]  }
0x192: {  	v9 =	vld [tilespmem:s28+$0xD800];
	v3 =	vadd.f32 v5, v3  }
0x193: {  	v4 =	vadd.f32 v10, v4;
	v5 =	vld [tilespmem:s28+$0xE010]  }
0x194: {  	v10 =	vld [tilespmem:s28+$0x6000];
	v3 =	vadd.f32 v7, v3  }
0x195: {  	v4 =	vadd.f32 v8, v4;
	v7 =	vld [tilespmem:s28+$0x6810]  }
0x196: {  	v8 =	vld [tilespmem:s28+$0xE000];
	v3 =	vadd.f32 v6, v3  }
0x197: {  	v4 =	vadd.f32 v9, v4;
	v9 =	vld [tilespmem:s28+$0xE810]  }
0x198: {  	v11 =	vld [tilespmem:s28+$0x6800];
	v3 =	vadd.f32 v5, v3  }
0x199: {  	v4 =	vadd.f32 v10, v4;
	v5 =	vld [tilespmem:s28+$0x7010]  }
0x19a: {  	v10 =	vld [tilespmem:s28+$0xE800];
	v3 =	vadd.f32 v7, v3  }
0x19b: {  	v4 =	vadd.f32 v8, v4;
	v8 =	vld [tilespmem:s28+$0xF010]  }
.Ltmp7:
0x19c: {  	v6 =	vld [tilespmem:s28+$0x7000];
	v7 =	vadd.f32 v9, v3;
	(pc) =	sbr.rel @p1 .LBB2_12-.Ltmp7, $4  }
0x19d: {  	v9 =	vadd.f32 v11, v4;
	v3 =	vld [tilespmem:s28+$0x7810]  }
0x19e: {  	v4 =	vld [tilespmem:s28+$0xF000];
	v11 =	vadd.f32 v5, v7  }
0x19f: {  	v9 =	vadd.f32 v10, v9;
	v5 =	vld [tilespmem:s28+$0xF810]  }
0x1a0: {  	s30 =	sadd.s32 $0x80, s30;
	v7 =	vld [tilespmem:s28+$0x7800];
	v8 =	vadd.f32 v8, v11  }
0x1a1: {  	v6 =	vadd.f32 v6, v9  }
0x1a2: {  	v63 =	vld [tilespmem:s28+$0xF800]  }
0x1a3: {  	v4 =	vadd.f32 v4, v6  }
0x1a4: {  	v3 =	vadd.f32 v3, v8  }
0x1a5: {  	v4 =	vadd.f32 v7, v4  }
0x1a6: {  	v3 =	vadd.f32 v5, v3  }
0x1a7: {  	v4 =	vadd.f32 v63, v4  }
0x1a8: {  	[tilespmem:s28+$0x18010] =	vst v3  }
0x1a9: {  	[tilespmem:s28+$0x18000] =	vst v4  }
0x1aa: {  	[spmem:s5] =	stream.strided.scatter [tilespmem:s24], [sflag:$0x3], $0x800, s23, s22, $0x38;
	[tilespmem:$0x1B080] =	vst v63  }
.Ltmp8:
0x1ab: {  	_ =	swait.ge [sflag:s25], $0x800;
	(pc) =	sbr.rel @p0 .LBB2_19-.Ltmp8, $3  }
0x1ac: {  	[sflag:s25] =	ssyncset.done $0x0  }
0x1ad: {  	[sflag:s25] =	ssyncadd.s32 $0xFFFFF800  }
0x1ae: {  	[bflag:$0x0] =	sbarrier.arrive $0xFFFF;
	_ =	sdelay $0x1  }
0x1af: {  	s0 =	simm.s32 $0x18800;
	s6 =	sld [smem:$0x7F8]  }
0x1b0: {  	[tilespmem:s0], [sflag:$0x3] =	stream.linear.gather [spmem:s5], $0x80, $0x38;
	[tilespmem:$0x1B080] =	vst v63  }
0x1b1: {  	s1 =	simm.s32 $0x18A00;
	s7 =	sld [smem:$0x7F9]  }
0x1b2: {  	[tilespmem:s1], [sflag:$0x3] =	stream.linear.gather [spmem:s6], $0x80, $0x38;
	[tilespmem:$0x1B080] =	vst v63  }
0x1b3: {  	s8 =	simm.s32 $0x18C00;
	s30 =	sld [smem:$0x7FA]  }
0x1b4: {  	[tilespmem:s8], [sflag:$0x3] =	stream.linear.gather [spmem:s7], $0x80, $0x38;
	[tilespmem:$0x1B080] =	vst v63  }
0x1b5: {  	s31 =	simm.s32 $0x18E00;
	s1 =	sld [smem:$0x7FB]  }
0x1b6: {  	[tilespmem:s31], [sflag:$0x3] =	stream.linear.gather [spmem:s30], $0x80, $0x38;
	[tilespmem:$0x1B080] =	vst v63  }
0x1b7: {  	s6 =	simm.s32 $0x19000;
	s7 =	sld [smem:$0x7FC]  }
0x1b8: {  	[tilespmem:s6], [sflag:$0x3] =	stream.linear.gather [spmem:s1], $0x80, $0x38;
	[tilespmem:$0x1B080] =	vst v63  }
0x1b9: {  	s8 =	simm.s32 $0x19200;
	s30 =	sld [smem:$0x7FD]  }
0x1ba: {  	[tilespmem:s8], [sflag:$0x3] =	stream.linear.gather [spmem:s7], $0x80, $0x38;
	[tilespmem:$0x1B080] =	vst v63  }
0x1bb: {  	s31 =	simm.s32 $0x19400  }
0x1bc: {  	[tilespmem:s31], [sflag:$0x3] =	stream.linear.gather [spmem:s30], $0x80, $0x38;
	[tilespmem:$0x1B080] =	vst v63  }
0x1bd: {  	s6 =	simm.s32 $0x19600  }
0x1be: {  	[tilespmem:s6], [sflag:$0x3] =	stream.linear.gather [spmem:s9], $0x80, $0x38;
	[tilespmem:$0x1B080] =	vst v63  }
0x1bf: {  	s7 =	simm.s32 $0x19800  }
0x1c0: {  	[tilespmem:s7], [sflag:$0x3] =	stream.linear.gather [spmem:s11], $0x80, $0x38;
	[tilespmem:$0x1B080] =	vst v63  }
0x1c1: {  	s8 =	simm.s32 $0x19A00  }
0x1c2: {  	[tilespmem:s8], [sflag:$0x3] =	stream.linear.gather [spmem:s12], $0x80, $0x38;
	[tilespmem:$0x1B080] =	vst v63  }
0x1c3: {  	s30 =	simm.s32 $0x19C00  }
0x1c4: {  	[tilespmem:s30], [sflag:$0x3] =	stream.linear.gather [spmem:s13], $0x80, $0x38;
	[tilespmem:$0x1B080] =	vst v63  }
0x1c5: {  	s31 =	simm.s32 $0x19E00  }
0x1c6: {  	[tilespmem:s31], [sflag:$0x3] =	stream.linear.gather [spmem:s14], $0x80, $0x38;
	[tilespmem:$0x1B080] =	vst v63  }
0x1c7: {  	s1 =	simm.s32 $0x1A000  }
0x1c8: {  	[tilespmem:s1], [sflag:$0x3] =	stream.linear.gather [spmem:s15], $0x80, $0x38;
	[tilespmem:$0x1B080] =	vst v63  }
0x1c9: {  	s6 =	simm.s32 $0x1A200  }
0x1ca: {  	[tilespmem:s6], [sflag:$0x3] =	stream.linear.gather [spmem:s16], $0x80, $0x38;
	[tilespmem:$0x1B080] =	vst v63  }
0x1cb: {  	s7 =	simm.s32 $0x1A400  }
0x1cc: {  	[tilespmem:s7], [sflag:$0x3] =	stream.linear.gather [spmem:s17], $0x80, $0x38;
	[tilespmem:$0x1B080] =	vst v63  }
0x1cd: {  	s8 =	simm.s32 $0x1A600  }
0x1ce: {  	[tilespmem:s8], [sflag:$0x3] =	stream.linear.gather [spmem:s18], $0x80, $0x38;
	[tilespmem:$0x1B080] =	vst v63  }
0x1cf: {  	_ =	swait.ge [sflag:s25], $0x800  }
0x1d0: {  	[sflag:s25] =	ssyncset.done $0x0  }
0x1d1: {  	s31 =	simm.s32 $0x18880;
	s30 =	rddreg [dreg:$0x3];
	[sflag:s25] =	ssyncadd.s32 $0xFFFFF800  }
0x1d2: {  	[tilespmem:s31], [sflag:$0x3] =	stream.linear.gather [spmem:s30], $0x80, $0x38;
	[tilespmem:$0x1B080] =	vst v63  }
0x1d3: {  	s6 =	simm.s32 $0x18A80;
	s1 =	rddreg [dreg:$0x7]  }
0x1d4: {  	[tilespmem:s6], [sflag:$0x3] =	stream.linear.gather [spmem:s1], $0x80, $0x38;
	[tilespmem:$0x1B080] =	vst v63  }
0x1d5: {  	s8 =	simm.s32 $0x18C80;
	s7 =	rddreg [dreg:$0x8]  }
0x1d6: {  	[tilespmem:s8], [sflag:$0x3] =	stream.linear.gather [spmem:s7], $0x80, $0x38;
	[tilespmem:$0x1B080] =	vst v63  }
0x1d7: {  	s30 =	rddreg [dreg:$0x9];
	s31 =	simm.s32 $0x18E80  }
0x1d8: {  	[tilespmem:s31], [sflag:$0x3] =	stream.linear.gather [spmem:s30], $0x80, $0x38;
	[tilespmem:$0x1B080] =	vst v63  }
0x1d9: {  	s1 =	rddreg [dreg:$0xa];
	s6 =	simm.s32 $0x19080  }
0x1da: {  	[tilespmem:s6], [sflag:$0x3] =	stream.linear.gather [spmem:s1], $0x80, $0x38;
	[tilespmem:$0x1B080] =	vst v63  }
0x1db: {  	s7 =	rddreg [dreg:$0xb];
	s8 =	simm.s32 $0x19280  }
0x1dc: {  	[tilespmem:s8], [sflag:$0x3] =	stream.linear.gather [spmem:s7], $0x80, $0x38;
	[tilespmem:$0x1B080] =	vst v63  }
0x1dd: {  	s30 =	rddreg [dreg:$0xc];
	s31 =	simm.s32 $0x19480  }
0x1de: {  	[tilespmem:s31], [sflag:$0x3] =	stream.linear.gather [spmem:s30], $0x80, $0x38;
	[tilespmem:$0x1B080] =	vst v63  }
0x1df: {  	s1 =	rddreg [dreg:$0xd];
	s6 =	simm.s32 $0x19680  }
0x1e0: {  	[tilespmem:s6], [sflag:$0x3] =	stream.linear.gather [spmem:s1], $0x80, $0x38;
	[tilespmem:$0x1B080] =	vst v63  }
0x1e1: {  	s7 =	rddreg [dreg:$0xe];
	s8 =	simm.s32 $0x19880  }
0x1e2: {  	[tilespmem:s8], [sflag:$0x3] =	stream.linear.gather [spmem:s7], $0x80, $0x38;
	[tilespmem:$0x1B080] =	vst v63  }
0x1e3: {  	s30 =	rddreg [dreg:$0xf];
	s31 =	simm.s32 $0x19A80  }
0x1e4: {  	[tilespmem:s31], [sflag:$0x3] =	stream.linear.gather [spmem:s30], $0x80, $0x38;
	[tilespmem:$0x1B080] =	vst v63  }
0x1e5: {  	s1 =	rddreg [dreg:$0x10];
	s6 =	simm.s32 $0x19C80  }
0x1e6: {  	[tilespmem:s6], [sflag:$0x3] =	stream.linear.gather [spmem:s1], $0x80, $0x38;
	[tilespmem:$0x1B080] =	vst v63  }
0x1e7: {  	s7 =	rddreg [dreg:$0x11];
	s8 =	simm.s32 $0x19E80  }
0x1e8: {  	[tilespmem:s8], [sflag:$0x3] =	stream.linear.gather [spmem:s7], $0x80, $0x38;
	[tilespmem:$0x1B080] =	vst v63  }
0x1e9: {  	s30 =	rddreg [dreg:$0x12];
	s31 =	simm.s32 $0x1A080  }
0x1ea: {  	[tilespmem:s31], [sflag:$0x3] =	stream.linear.gather [spmem:s30], $0x80, $0x38;
	[tilespmem:$0x1B080] =	vst v63  }
0x1eb: {  	s1 =	rddreg [dreg:$0x13];
	s6 =	simm.s32 $0x1A280  }
0x1ec: {  	[tilespmem:s6], [sflag:$0x3] =	stream.linear.gather [spmem:s1], $0x80, $0x38;
	[tilespmem:$0x1B080] =	vst v63  }
0x1ed: {  	s7 =	rddreg [dreg:$0x14];
	s8 =	simm.s32 $0x1A480  }
0x1ee: {  	[tilespmem:s8], [sflag:$0x3] =	stream.linear.gather [spmem:s7], $0x80, $0x38;
	[tilespmem:$0x1B080] =	vst v63  }
0x1ef: {  	s30 =	rddreg [dreg:$0x15];
	s31 =	simm.s32 $0x1A680  }
0x1f0: {  	[tilespmem:s31], [sflag:$0x3] =	stream.linear.gather [spmem:s30], $0x80, $0x38;
	[tilespmem:$0x1B080] =	vst v63  }
0x1f1: {  	_ =	swait.ge [sflag:s25], $0x800  }
0x1f2: {  	[sflag:s25] =	ssyncset.done $0x0;
	s1 =	rddreg [dreg:$0x4]  }
0x1f3: {  	s6 =	simm.s32 $0x18900;
	s7 =	rddreg [dreg:$0x16];
	[sflag:s25] =	ssyncadd.s32 $0xFFFFF800  }
0x1f4: {  	[tilespmem:s6], [sflag:$0x3] =	stream.linear.gather [spmem:s1], $0x80, $0x38;
	[tilespmem:$0x1B080] =	vst v63  }
0x1f5: {  	s8 =	simm.s32 $0x18B00;
	s30 =	rddreg [dreg:$0x17]  }
0x1f6: {  	[tilespmem:s8], [sflag:$0x3] =	stream.linear.gather [spmem:s7], $0x80, $0x38;
	[tilespmem:$0x1B080] =	vst v63  }
0x1f7: {  	s31 =	simm.s32 $0x18D00;
	s1 =	rddreg [dreg:$0x18]  }
0x1f8: {  	[tilespmem:s31], [sflag:$0x3] =	stream.linear.gather [spmem:s30], $0x80, $0x38;
	[tilespmem:$0x1B080] =	vst v63  }
0x1f9: {  	s6 =	simm.s32 $0x18F00;
	s7 =	rddreg [dreg:$0x19]  }
0x1fa: {  	[tilespmem:s6], [sflag:$0x3] =	stream.linear.gather [spmem:s1], $0x80, $0x38;
	[tilespmem:$0x1B080] =	vst v63  }
0x1fb: {  	s8 =	simm.s32 $0x19100;
	s30 =	rddreg [dreg:$0x1a]  }
0x1fc: {  	[tilespmem:s8], [sflag:$0x3] =	stream.linear.gather [spmem:s7], $0x80, $0x38;
	[tilespmem:$0x1B080] =	vst v63  }
0x1fd: {  	s31 =	simm.s32 $0x19300;
	s1 =	rddreg [dreg:$0x1b]  }
0x1fe: {  	[tilespmem:s31], [sflag:$0x3] =	stream.linear.gather [spmem:s30], $0x80, $0x38;
	[tilespmem:$0x1B080] =	vst v63  }
0x1ff: {  	s6 =	simm.s32 $0x19500;
	s7 =	rddreg [dreg:$0x1c]  }
0x200: {  	[tilespmem:s6], [sflag:$0x3] =	stream.linear.gather [spmem:s1], $0x80, $0x38;
	[tilespmem:$0x1B080] =	vst v63  }
0x201: {  	s8 =	simm.s32 $0x19700;
	s30 =	rddreg [dreg:$0x1d]  }
0x202: {  	[tilespmem:s8], [sflag:$0x3] =	stream.linear.gather [spmem:s7], $0x80, $0x38;
	[tilespmem:$0x1B080] =	vst v63  }
0x203: {  	s31 =	simm.s32 $0x19900;
	s1 =	rddreg [dreg:$0x1e]  }
0x204: {  	[tilespmem:s31], [sflag:$0x3] =	stream.linear.gather [spmem:s30], $0x80, $0x38;
	[tilespmem:$0x1B080] =	vst v63  }
0x205: {  	s6 =	simm.s32 $0x19B00;
	s7 =	rddreg [dreg:$0x1f]  }
0x206: {  	[tilespmem:s6], [sflag:$0x3] =	stream.linear.gather [spmem:s1], $0x80, $0x38;
	[tilespmem:$0x1B080] =	vst v63  }
0x207: {  	s8 =	simm.s32 $0x19D00;
	s30 =	sld [smem:$0x7E4]  }
0x208: {  	[tilespmem:s8], [sflag:$0x3] =	stream.linear.gather [spmem:s7], $0x80, $0x38;
	[tilespmem:$0x1B080] =	vst v63  }
0x209: {  	s31 =	simm.s32 $0x19F00;
	s1 =	sld [smem:$0x7E5]  }
0x20a: {  	[tilespmem:s31], [sflag:$0x3] =	stream.linear.gather [spmem:s30], $0x80, $0x38;
	[tilespmem:$0x1B080] =	vst v63  }
0x20b: {  	s6 =	simm.s32 $0x1A100;
	s7 =	sld [smem:$0x7E6]  }
0x20c: {  	[tilespmem:s6], [sflag:$0x3] =	stream.linear.gather [spmem:s1], $0x80, $0x38;
	[tilespmem:$0x1B080] =	vst v63  }
0x20d: {  	s8 =	simm.s32 $0x1A300;
	s30 =	sld [smem:$0x7E7]  }
0x20e: {  	[tilespmem:s8], [sflag:$0x3] =	stream.linear.gather [spmem:s7], $0x80, $0x38;
	[tilespmem:$0x1B080] =	vst v63  }
0x20f: {  	s31 =	simm.s32 $0x1A500;
	s1 =	sld [smem:$0x7E8]  }
0x210: {  	[tilespmem:s31], [sflag:$0x3] =	stream.linear.gather [spmem:s30], $0x80, $0x38;
	[tilespmem:$0x1B080] =	vst v63  }
0x211: {  	s6 =	simm.s32 $0x1A700  }
0x212: {  	[tilespmem:s6], [sflag:$0x3] =	stream.linear.gather [spmem:s1], $0x80, $0x38;
	[tilespmem:$0x1B080] =	vst v63  }
0x213: {  	_ =	swait.ge [sflag:s25], $0x800  }
0x214: {  	[sflag:s25] =	ssyncset.done $0x0;
	s7 =	rddreg [dreg:$0x5]  }
0x215: {  	s8 =	simm.s32 $0x18980;
	s30 =	sld [smem:$0x7E9];
	[sflag:s25] =	ssyncadd.s32 $0xFFFFF800  }
0x216: {  	[tilespmem:s8], [sflag:$0x3] =	stream.linear.gather [spmem:s7], $0x80, $0x38;
	[tilespmem:$0x1B080] =	vst v63  }
0x217: {  	s31 =	simm.s32 $0x18B80;
	s1 =	sld [smem:$0x7EA]  }
0x218: {  	[tilespmem:s31], [sflag:$0x3] =	stream.linear.gather [spmem:s30], $0x80, $0x38;
	[tilespmem:$0x1B080] =	vst v63  }
0x219: {  	s6 =	simm.s32 $0x18D80;
	s7 =	sld [smem:$0x7EB]  }
0x21a: {  	[tilespmem:s6], [sflag:$0x3] =	stream.linear.gather [spmem:s1], $0x80, $0x38;
	[tilespmem:$0x1B080] =	vst v63  }
0x21b: {  	s8 =	simm.s32 $0x18F80;
	s30 =	sld [smem:$0x7EC]  }
0x21c: {  	[tilespmem:s8], [sflag:$0x3] =	stream.linear.gather [spmem:s7], $0x80, $0x38;
	[tilespmem:$0x1B080] =	vst v63  }
0x21d: {  	s31 =	simm.s32 $0x19180;
	s1 =	sld [smem:$0x7ED]  }
0x21e: {  	[tilespmem:s31], [sflag:$0x3] =	stream.linear.gather [spmem:s30], $0x80, $0x38;
	[tilespmem:$0x1B080] =	vst v63  }
0x21f: {  	s6 =	simm.s32 $0x19380;
	s7 =	sld [smem:$0x7EE]  }
0x220: {  	[tilespmem:s6], [sflag:$0x3] =	stream.linear.gather [spmem:s1], $0x80, $0x38;
	[tilespmem:$0x1B080] =	vst v63  }
0x221: {  	s8 =	simm.s32 $0x19580;
	s30 =	sld [smem:$0x7EF]  }
0x222: {  	[tilespmem:s8], [sflag:$0x3] =	stream.linear.gather [spmem:s7], $0x80, $0x38;
	[tilespmem:$0x1B080] =	vst v63  }
0x223: {  	s31 =	simm.s32 $0x19780;
	s1 =	sld [smem:$0x7F0]  }
0x224: {  	[tilespmem:s31], [sflag:$0x3] =	stream.linear.gather [spmem:s30], $0x80, $0x38;
	[tilespmem:$0x1B080] =	vst v63  }
0x225: {  	s6 =	simm.s32 $0x19980;
	s7 =	sld [smem:$0x7F1]  }
0x226: {  	[tilespmem:s6], [sflag:$0x3] =	stream.linear.gather [spmem:s1], $0x80, $0x38;
	[tilespmem:$0x1B080] =	vst v63  }
0x227: {  	s8 =	simm.s32 $0x19B80;
	s30 =	sld [smem:$0x7F2]  }
0x228: {  	[tilespmem:s8], [sflag:$0x3] =	stream.linear.gather [spmem:s7], $0x80, $0x38;
	[tilespmem:$0x1B080] =	vst v63  }
0x229: {  	s31 =	simm.s32 $0x19D80;
	s1 =	sld [smem:$0x7F3]  }
0x22a: {  	[tilespmem:s31], [sflag:$0x3] =	stream.linear.gather [spmem:s30], $0x80, $0x38;
	[tilespmem:$0x1B080] =	vst v63  }
0x22b: {  	s6 =	simm.s32 $0x19F80;
	s7 =	sld [smem:$0x7F4]  }
0x22c: {  	[tilespmem:s6], [sflag:$0x3] =	stream.linear.gather [spmem:s1], $0x80, $0x38;
	[tilespmem:$0x1B080] =	vst v63  }
0x22d: {  	s8 =	simm.s32 $0x1A180;
	s30 =	sld [smem:$0x7F5]  }
0x22e: {  	[tilespmem:s8], [sflag:$0x3] =	stream.linear.gather [spmem:s7], $0x80, $0x38;
	[tilespmem:$0x1B080] =	vst v63  }
0x22f: {  	s31 =	simm.s32 $0x1A380;
	s1 =	sld [smem:$0x7F6]  }
0x230: {  	[tilespmem:s31], [sflag:$0x3] =	stream.linear.gather [spmem:s30], $0x80, $0x38;
	[tilespmem:$0x1B080] =	vst v63  }
0x231: {  	s6 =	simm.s32 $0x1A580;
	s7 =	sld [smem:$0x7F7]  }
0x232: {  	[tilespmem:s6], [sflag:$0x3] =	stream.linear.gather [spmem:s1], $0x80, $0x38;
	[tilespmem:$0x1B080] =	vst v63  }
0x233: {  	s8 =	simm.s32 $0x1A780  }
0x234: {  	[tilespmem:s8], [sflag:$0x3] =	stream.linear.gather [spmem:s7], $0x80, $0x38;
	[tilespmem:$0x1B080] =	vst v63  }
0x235: {  	s30 =	simm.s32 $0x0;
	_ =	swait.ge [sflag:s25], $0x800  }
0x236: {  	s28 =	sand.u32 $0x70, s30;
	s1 =	sand.u32 $0xE00, s30;
	[sflag:s25] =	ssyncset.done $0x0  }
0x237: {  	s28 =	sor.u32 s28, s1;
	[sflag:s25] =	ssyncadd.s32 $0xFFFFF800  }
0x238: {  	v3 =	vld [tilespmem:s28+$0x19800]  }
0x239: {  	v6 =	vld [tilespmem:s28+$0x19880];
	_ =	sdelay $0x1  }
0x23a: {  	s29 =	simm.s32 $0x40;
	s31 =	simm.s32 $0x10;
	v8 =	vld [tilespmem:s28+$0x19900]  }
0x23b: {  	s29 =	sand.u32 $0xE00, s29;
	s1 =	sand.u32 $0x70, s31  }
0x23c: {  	s1 =	sor.u32 s1, s29;
	v4 =	vld [tilespmem:s28+$0x19980]  }
0x23d: {  	v5 =	vld [tilespmem:s1+$0x19800];
	v6 =	vadd.f32 v6, v3  }
0x23e: {  	v7 =	vld [tilespmem:s1+$0x19880]  }
0x23f: {  	v8 =	vadd.f32 v8, v6  }
0x240: {  	s29 =	simm.s32 $0x80;
	s28 =	simm.s32 $0x20;
	v3 =	vimm.f32 $0.0e+00;
	v6 =	vld [tilespmem:s1+$0x19900]  }
.LBB2_15:
0x241: {  	s30 =	sand.u32 $0x70, s28;
	s31 =	sand.u32 $0xE00, s29;
	v8 =	vadd.f32 v4, v8;
	p1 =	sne.s32 s28, $0x3F0  }
.Ltmp9:
0x242: {  	s28 =	sadd.s32 $0x10, s28;
	v4 =	vld [tilespmem:s1+$0x19980];
	s1 =	sor.u32 s30, s31;
	(pc) =	sbr.rel @p1 .LBB2_15-.Ltmp9, $4  }
0x243: {  	v9 =	vadd.f32 v7, v5;
	v5 =	vld [tilespmem:s1+$0x19800];
	v3 =	vadd.f32 v8, v3  }
0x244: {  	v7 =	vld [tilespmem:s1+$0x19880]  }
0x245: {  	v8 =	vadd.f32 v6, v9  }
0x246: {  	s29 =	sadd.s32 $0x40, s29;
	v6 =	vld [tilespmem:s1+$0x19900]  }
0x247: {  	s28 =	simm.s32 $0x0  }
0x248: {  	s29 =	sand.u32 $0x70, s28;
	s28 =	sand.u32 $0xE00, s28  }
0x249: {  	v9 =	vld [tilespmem:s1+$0x19980];
	s6 =	sor.u32 s29, s28  }
0x24a: {  	v10 =	vld [tilespmem:s6+$0x18800]  }
0x24b: {  	v11 =	vld [tilespmem:s6+$0x19800]  }
0x24c: {  	v12 =	vld [tilespmem:s6+$0x19880]  }
0x24d: {  	v14 =	vld [tilespmem:s6+$0x19900]  }
0x24e: {  	s28 =	sadd.s32 $0x18800, s6;
	v16 =	vld [tilespmem:s6+$0x19980]  }
0x24f: {  	s30 =	simm.s32 $0x40;
	s29 =	simm.s32 $0x10;
	v13 =	vld [tilespmem:s28+$0x80]  }
0x250: {  	s30 =	sand.u32 $0xE00, s30;
	s29 =	sand.u32 $0x70, s29;
	v15 =	vld [tilespmem:s28+$0x100]  }
0x251: {  	s7 =	sor.u32 s29, s30;
	v17 =	vld [tilespmem:s28+$0x180]  }
0x252: {  	v5 =	vadd.f32 v7, v5;
	v19 =	vld [tilespmem:s7+$0x19800]  }
0x253: {  	v7 =	vld [tilespmem:s7+$0x19880]  }
0x254: {  	v4 =	vadd.f32 v4, v8;
	v5 =	vadd.f32 v6, v5;
	v18 =	vld [tilespmem:s7+$0x18800]  }
0x255: {  	s29 =	simm.s32 $0x20;
	s30 =	simm.s32 $0x80;
	v6 =	vld [tilespmem:s7+$0x19900]  }
0x256: {  	v3 =	vadd.f32 v4, v3;
	s28 =	sadd.s32 $0x18800, s7;
	s29 =	sand.u32 $0x70, s29;
	s30 =	sand.u32 $0xE00, s30;
	v4 =	vadd.f32 v9, v5;
	v5 =	vld [tilespmem:s7+$0x19980]  }
0x257: {  	s8 =	sor.u32 s29, s30;
	v11 =	vadd.f32 v12, v11;
	v12 =	vld [tilespmem:s28+$0x80];
	v10 =	vadd.f32 v13, v10  }
0x258: {  	s29 =	simm.s32 $0x30;
	s30 =	simm.s32 $0xC0;
	v13 =	vld [tilespmem:s8+$0x18800];
	v7 =	vadd.f32 v7, v19  }
0x259: {  	s29 =	sand.u32 $0x70, s29;
	s30 =	sand.u32 $0xE00, s30;
	v8 =	vadd.f32 v15, v10;
	v10 =	vadd.f32 v14, v11;
	v11 =	vld [tilespmem:s28+$0x100]  }
0x25a: {  	v3 =	vadd.f32 v4, v3;
	s0 =	sor.u32 s29, s30;
	s29 =	simm.s32 $0x40;
	s30 =	simm.s32 $0x100;
	v14 =	vld [tilespmem:s8+$0x19880];
	v6 =	vadd.f32 v6, v7  }
0x25b: {  	s29 =	sand.u32 $0x70, s29;
	s30 =	sand.u32 $0xE00, s30;
	v7 =	vld [tilespmem:s8+$0x19900];
	v8 =	vadd.f32 v17, v8;
	v9 =	vadd.f32 v16, v10  }
0x25c: {  	s6 =	sor.u32 s29, s30;
	v10 =	vld [tilespmem:s28+$0x180]  }
0x25d: {  	(xrf2) =	vadd.scan.msk.f32 $0xffff, v3;
	v17 =	vld [tilespmem:s6+$0x19800];
	v4 =	vadd.f32 v9, v8  }
0x25e: {  	v12 =	vadd.f32 v12, v18;
	s28 =	sadd.s32 $0x18800, s8;
	v18 =	vld [tilespmem:s6+$0x19980]  }
0x25f: {  	v3 =	vld [tilespmem:s28+$0x80];
	(xrf2) =	vadd.scan.msk.f32 $0xffff, v4  }
0x260: {  	v9 =	vld [tilespmem:s8+$0x19800];
	v4 =	vadd.f32 v11, v12  }
0x261: {  	v5 =	vadd.f32 v5, v6;
	v6 =	vld [tilespmem:s8+$0x19980]  }
0x262: {  	v11 =	vld [tilespmem:s28+$0x100];
	(xrf2) =	vadd.scan.msk.f32 $0xffff, v8;
	v4 =	vadd.f32 v10, v4  }
0x263: {  	v12 =	vld [tilespmem:s0+$0x19800]  }
0x264: {  	v8 =	vld [tilespmem:s28+$0x180];
	v5 =	vadd.f32 v5, v4  }
0x265: {  	v10 =	vld [tilespmem:s0+$0x18800];
	v3 =	vadd.f32 v3, v13;
	v9 =	vadd.f32 v14, v9  }
0x266: {  	s29 =	simm.s32 $0x50;
	s30 =	simm.s32 $0x140;
	s28 =	sadd.s32 $0x18800, s0;
	(xrf2) =	vadd.scan.msk.f32 $0xffff, v5;
	v5 =	vld [tilespmem:s0+$0x19880]  }
0x267: {  	s29 =	sand.u32 $0x70, s29;
	s30 =	sand.u32 $0xE00, s30;
	v15 =	vld [tilespmem:s28+$0x80];
	v14, _, _ =	vpop (xrf2);
	v3 =	vadd.f32 v11, v3;
	(xrf2) =	vadd.scan.msk.f32 $0xffff, v4  }
0x268: {  	s7 =	sor.u32 s29, s30;
	v13 =	vld [tilespmem:s0+$0x19900];
	v7 =	vadd.f32 v7, v9  }
0x269: {  	v19 =	vld [tilespmem:s7+$0x18800];
	v8 =	vadd.f32 v8, v3;
	v9, _, _ =	vpop (xrf2)  }
0x26a: {  	v4 =	vld [tilespmem:s28+$0x100];
	v3 =	vadd.f32 v6, v7;
	(v2sf) =	vpush v9, $0xF  }
0x26b: {  	v16 =	vld [tilespmem:s28+$0x180];
	v5 =	vadd.f32 v5, v12  }
0x26c: {  	v11 =	vld [tilespmem:s0+$0x19980];
	v10 =	vadd.f32 v15, v10;
	v3 =	vadd.f32 v3, v8;
	v6, _, _ =	vpop (xrf2)  }
0x26d: {  	v21 =	vld [tilespmem:s7+$0x19800];
	(v2sf) =	vpush v6, $0xF;
	v5 =	vadd.f32 v13, v5  }
0x26e: {  	v7 =	vld [tilespmem:s6+$0x18800];
	s28 =	sadd.s32 $0x18800, s6;
	(xrf2) =	vadd.scan.msk.f32 $0xffff, v3  }
0x26f: {  	v12 =	vld [tilespmem:s28+$0x80];
	v3 =	vadd.f32 v4, v10  }
0x270: {  	v15 =	vld [tilespmem:s6+$0x19880];
	v4, _, _ =	vpop (xrf2)  }
0x271: {  	v10 =	vld [tilespmem:s6+$0x19900];
	v16 =	vadd.f32 v16, v3;
	v3 =	vadd.f32 v11, v5;
	v5, _, _ =	vpop (xrf2);
	(xrf2) =	vadd.scan.msk.f32 $0xffff, v8  }
0x272: {  	v8 =	vld [tilespmem:s7+$0x19880]  }
0x273: {  	v13 =	vld [tilespmem:s28+$0x100];
	(v2sf) =	vpush v4, $0xF  }
0x274: {  	s29 =	sadd.s32 $0x18800, s7;
	v11 =	vld [tilespmem:s28+$0x180];
	v7 =	vadd.f32 v12, v7  }
0x275: {  	s28 =	simm.f32 $0.0e+00;
	v12 =	vld [tilespmem:s29+$0x80];
	v20 =	vadd.f32 v3, v16;
	(v2sf) =	vpush v5, $0xF  }
0x276: {  	v6 =	vadd.f32 s28, v6;
	v3 =	vbroadcast v14, $0xF;
	v14 =	vadd.f32 v15, v17;
	v15 =	vld [tilespmem:s7+$0x19900]  }
0x277: {  	v17 =	vadd.f32 s28, v9;
	(xrf2) =	vadd.scan.msk.f32 $0xffff, v20;
	v8 =	vadd.f32 v8, v21  }
0x278: {  	v7 =	vadd.f32 v13, v7;
	v9 =	vadd.f32 v10, v14;
	(xrf2) =	vadd.scan.msk.f32 $0xffff, v16;
	v16, _, _ =	vpop (xrf2)  }
0x279: {  	v13 =	vld [tilespmem:s29+$0x100];
	v6 =	vadd.f32 v6, v3;
	s0 =	spop (v2sf);
	(v2sf) =	vpush v16, $0xF  }
0x27a: {  	s31 =	simm.s32 $0x180;
	s30 =	simm.s32 $0x60;
	v10 =	vld [tilespmem:s29+$0x180];
	v7 =	vadd.f32 v11, v7;
	v9 =	vadd.f32 v18, v9  }
0x27b: {  	s31 =	sand.u32 $0xE00, s31;
	s30 =	sand.u32 $0x70, s30;
	(erf) = vrcp.f32 v6;
	v6 =	vld [tilespmem:s7+$0x19980];
	v11 =	vadd.f32 v12, v19;
	v12 =	vadd.f32 v15, v8;
	v8, _, _ =	vpop (xrf2)  }
0x27c: {  	s8 =	sor.u32 s30, s31;
	v9 =	vadd.f32 v9, v7;
	s29 =	spop (v2sf);
	(v2sf) =	vpush v8, $0xF  }
0x27d: {  	s6 =	sadd.s32 $0x18800, s8;
	s29 =	sadd.f32 s29, s28  }
0x27e: {  	v63 =	vld [tilespmem:s6+$0x80];
	v11 =	vadd.f32 v13, v11;
	(xrf2) =	vadd.scan.msk.f32 $0xffff, v9  }
0x27f: {  	v18 =	vld [tilespmem:s8+$0x19800];
	v14 =	vadd.f32 s29, v5  }
0x280: {  	v19 =	vld [tilespmem:s8+$0x19880];
	v11 =	vadd.f32 v10, v11;
	v10 =	vadd.f32 v6, v12  }
0x281: {  	v20 =	vld [tilespmem:s8+$0x18800];
	s0 =	sadd.f32 s0, s28;
	(xrf2) =	vadd.scan.msk.f32 $0xffff, v7;
	v12 =	vadd.f32 v14, v3  }
0x282: {  	v13 =	vld [tilespmem:s8+$0x19900];
	v5, _, _ =	vpop (xrf2);
	s28 =	spop (v2sf)  }
0x283: {  	s31 =	simm.s32 $0x70;
	s30 =	simm.s32 $0x1C0;
	v9, _, _ =	vpop (xrf2);
	v14 =	vld [tilespmem:s6+$0x100];
	(v2sf) =	vpush v5, $0xF;
	s28 =	sadd.f32 s28, s0;
	(erf) = vrcp.f32 v12  }
0x284: {  	s7 =	sand.u32 $0x70, s31;
	s31 =	sand.u32 $0xE00, s30;
	v15 =	vld [tilespmem:s8+$0x19980];
	v22 =	vadd.f32 v10, v11;
	v10 =	vpop (erf);
	s8 =	spop (v2sf);
	(v2sf) =	vpush v9, $0xF  }
0x285: {  	s31 =	sor.u32 s7, s31;
	v18 =	vadd.f32 v19, v18;
	v10 =	vmul.f32 v10, v17;
	s29 =	sadd.f32 s8, s29;
	v7 =	vadd.f32 s28, v16;
	v16 =	vld [tilespmem:s6+$0x180]  }
0x286: {  	s1 =	simm.s32 $0x80;
	v6 =	vimm.f32 $0.0e+00;
	v4 =	vadd.f32 s0, v4;
	(xrf2) =	vadd.scan.msk.f32 $0xffff, v22;
	v17 =	vadd.f32 v63, v20;
	v12 =	vld [tilespmem:s31+$0x18800]  }
.LBB2_17:
0x287: {  	p1 =	sne.s32 s1, $0x3F0;
	v19 =	vld [tilespmem:s31+$0x19800];
	v20 =	vadd.f32 s29, v8;
	v6 =	vadd.f32 v10, v6;
	v8 =	vmov v9  }
0x288: {  	s0 =	sadd.s32 $0x18800, s31;
	v22 =	vadd.f32 v14, v17;
	v10 =	vadd.f32 v13, v18;
	v21 =	vld [tilespmem:s31+$0x19880];
	v17, _, _ =	vpop (xrf2);
	s6 =	spop (v2sf)  }
0x289: {  	v18 =	vld [tilespmem:s0+$0x80];
	(xrf2) =	vadd.scan.msk.f32 $0xffff, v11;
	(v2sf) =	vpush v17, $0xF;
	v20 =	vadd.f32 v20, v3;
	s28 =	sadd.f32 s6, s28  }
.Ltmp10:
0x28a: {  	v11 =	vadd.f32 v16, v22;
	v16 =	vadd.f32 v15, v10;
	v13 =	vld [tilespmem:s31+$0x19900];
	(pc) =	sbr.rel @p1 .LBB2_17-.Ltmp10, $4  }
0x28b: {  	s30 =	sadd.s32 $0x40, s30;
	v14 =	vld [tilespmem:s0+$0x100];
	v9, _, _ =	vpop (xrf2);
	v22 =	vadd.f32 s28, v5;
	(erf) = vrcp.f32 v20;
	s6 =	spop (v2sf);
	v5 =	vmov v17  }
0x28c: {  	s7 =	sand.u32 $0x70, s1;
	s8 =	sand.u32 $0xE00, s30;
	v20 =	vadd.f32 v16, v11;
	v15 =	vld [tilespmem:s31+$0x19980];
	(v2sf) =	vpush v9, $0xF;
	s29 =	sadd.f32 s6, s29;
	v10 =	vpop (erf)  }
0x28d: {  	s31 =	sor.u32 s7, s8;
	v16 =	vld [tilespmem:s0+$0x180];
	v10 =	vmul.f32 v10, v4;
	v4 =	vmov v7;
	v7 =	vmov v22  }
0x28e: {  	s1 =	sadd.s32 $0x10, s1;
	v17 =	vadd.f32 v18, v12;
	v12 =	vld [tilespmem:s31+$0x18800];
	v18 =	vadd.f32 v21, v19;
	(xrf2) =	vadd.scan.msk.f32 $0xffff, v20  }
.Ltmp11:
0x28f: {  	_ = 	snop;
	(pc) =	sbr.rel .LBB2_18-.Ltmp11, $1  }
0x290: {  	_ =	sdelay $0x3  }
.LBB2_20:
0x291: {  	_ =	sfence.sel $0x180000  }
0x292: {  	[bflag:$0x0] =	sbarrier.arrive $0xFFFF  }
0x293: {  	_ =	strace $0x90000047  }
0x294: {  	s0 =	stileid.u32;
	[bflag:$0x2] =	sbarrier.arrive $0xFFFF  }
0x295: {  	p0 =	sne.s32 s0, $0x0;
	s0 =	rddreg [dreg:$0x2]  }
0x296: {  	s0 =	sadd.s32 @!p0 $0x100000, s0  }
0x297: {  	[sflag:s0] =	ssyncadd.tile.s32 @!p0 $0x1;
	_ =	shalt  }
.Lfunc_end2:
_tile_overlayer_lowered:
.L_overlay_start_2:
0x298: {  	(tag) =	ssettag $0x2  }
0x299: {  	s0 =	rddreg [dreg:$0x0];
	s2 =	stileid.u32  }
0x29a: {  	s1 =	rddreg [dreg:$0x1];
	p0 =	sne.s32 s2, $0x0  }
0x29b: {  	s3 =	rddreg [dreg:$0x2];
	[bflag:$0x3] =	sbarrier.arrive $0xFFFF;
	s2 =	simm.s32 @!p0 $0x1C03  }
0x29c: {  	[timem:s3], [sflag:s2] =	dma.local @!p0 [hbm:s0], s1  }
0x29d: {  	s0 =	simm.s32 @!p0 $0x3  }
0x29e: {  	_ =	swait.ge @!p0 [sflag:s0], s1  }
0x29f: {  	s1 =	ssub.s32 @!p0 $0x0, s1;
	[sflag:s0] =	ssyncset.done @!p0 $0x0  }
0x2a0: {  	[sflag:s0] =	ssyncadd.s32 @!p0 s1  }
0x2a1: {  	[bflag:$0x3] =	sbarrier.arrive $0xFFFF  }
0x2a2: {  	_ =	shalt  }

</sc_bundles>
